<compile_context>
chip_gen: v7x
topology: tpu7x:2x2x1
jax: 0.10.2.dev20260603
libtpu: 0.0.44.dev20260713+nightly
codegen_flags: <defaults>
</compile_context>

<pallas_src>
import functools

import jax
import jax.numpy as jnp
from jax import lax
from jax.experimental import pallas as pl
from jax.experimental.pallas import tpu as pltpu
from jax.experimental.pallas import tpu_sc as plsc

NUM_NODES = 1000000
RANK = 64
CHUNKS = 2
BATCH = 16384
D = RANK * CHUNKS

NC = 2
NS = 16
NW = NC * NS
B_PER_W = BATCH // NW
GCHUNK = 128
NCHUNK = B_PER_W // GCHUNK


def _sc_gather_body(idx_hbm, table_hbm, mask_hbm, rows_out, mask_out,
                    idx_v, rows_v, mval_v, sems, sem_mask, sem_out):
    wid = lax.axis_index("s") * NC + lax.axis_index("c")
    base = wid * B_PER_W
    idx_copies = []
    for j in range(NCHUNK):
        sl = pl.ds(j * GCHUNK, GCHUNK)
        idx_copies.append(pltpu.async_copy(
            idx_hbm.at[pl.ds(base + j * GCHUNK, GCHUNK)], idx_v.at[sl],
            sems.at[j]))
    gathers = []
    for j in range(NCHUNK):
        sl = pl.ds(j * GCHUNK, GCHUNK)
        idx_copies[j].wait()
        gathers.append(pltpu.async_copy(
            table_hbm.at[idx_v.at[sl]], rows_v.at[sl, :], sems.at[j]))
    mask_copies = [
        pltpu.async_copy(mask_hbm.at[idx_v.at[pl.ds(j * GCHUNK, GCHUNK)]],
                         mval_v.at[pl.ds(j * GCHUNK, GCHUNK)], sem_mask)
        for j in range(NCHUNK)
    ]
    writes = []
    for j in range(NCHUNK):
        sl = pl.ds(j * GCHUNK, GCHUNK)
        gathers[j].wait()
        writes.append(pltpu.async_copy(
            rows_v.at[sl, :], rows_out.at[pl.ds(base + j * GCHUNK, GCHUNK)],
            sem_out))
    for c in mask_copies:
        c.wait()
    writes.append(pltpu.async_copy(
        mval_v, mask_out.at[pl.ds(base, B_PER_W)], sem_out))
    for c in writes:
        c.wait()


def _sc_gather(idx, table, leaf_mask):
    mesh = plsc.VectorSubcoreMesh(core_axis_name="c", subcore_axis_name="s")
    k = pl.kernel(
        _sc_gather_body,
        out_type=(
            jax.ShapeDtypeStruct((BATCH, D), jnp.float32),
            jax.ShapeDtypeStruct((BATCH,), jnp.int32),
        ),
        mesh=mesh,
        scratch_types=[
            pltpu.VMEM((B_PER_W,), jnp.int32),
            pltpu.VMEM((B_PER_W, D), jnp.float32),
            pltpu.VMEM((B_PER_W,), jnp.int32),
            pltpu.SemaphoreType.DMA((NCHUNK,)),
            pltpu.SemaphoreType.DMA,
            pltpu.SemaphoreType.DMA,
        ],
    )
    return k(idx, table, leaf_mask)


ROWS_BLK = 4096


_DN_RT = (((0,), (1,)), ((), ()))
_DN_LT = (((0,), (0,)), ((), ()))


def _tc_mlp_body(x_ref, m_ref, w10_ref, b10_ref, w20_ref, b20_ref,
                 w11_ref, b11_ref, w21_ref, b21_ref, o0_ref, o1_ref):
    x = x_ref[...]
    nl = (m_ref[...] == 0)[None, :]
    e0 = x[:, :RANK]
    e1 = x[:, RANK:]
    eye = (lax.broadcasted_iota(jnp.int32, (RANK, RANK), 0)
           == lax.broadcasted_iota(jnp.int32, (RANK, RANK), 1)
           ).astype(jnp.float32)
    e0t = lax.dot_general(eye, e0, _DN_RT,
                          preferred_element_type=jnp.float32)
    e1t = lax.dot_general(eye, e1, _DN_RT,
                          preferred_element_type=jnp.float32)
    h0t = jnp.maximum(
        lax.dot_general(w10_ref[...], e0, _DN_RT,
                        preferred_element_type=jnp.float32) + b10_ref[...],
        0.0)
    o0t = lax.dot_general(w20_ref[...], h0t, _DN_LT,
                          preferred_element_type=jnp.float32) + b20_ref[...]
    h1t = jnp.maximum(
        lax.dot_general(w11_ref[...], e1, _DN_RT,
                        preferred_element_type=jnp.float32) + b11_ref[...],
        0.0)
    o1t = lax.dot_general(w21_ref[...], h1t, _DN_LT,
                          preferred_element_type=jnp.float32) + b21_ref[...]
    o0_ref[...] = jnp.where(nl, o0t, e0t)
    o1_ref[...] = jnp.where(nl, o1t, e1t)


def _tc_mlp(rows, mvals, w1t0, b1c0, w2t0, b2c0, w1t1, b1c1, w2t1, b2c1):
    grid = (BATCH // ROWS_BLK,)
    wspec = pl.BlockSpec((RANK, RANK), lambda i: (0, 0))
    bspec = pl.BlockSpec((RANK, 1), lambda i: (0, 0))
    return pl.pallas_call(
        _tc_mlp_body,
        grid=grid,
        in_specs=[
            pl.BlockSpec((ROWS_BLK, D), lambda i: (i, 0)),
            pl.BlockSpec((ROWS_BLK,), lambda i: (i,)),
            wspec, bspec, wspec, bspec,
            wspec, bspec, wspec, bspec,
        ],
        out_specs=[
            pl.BlockSpec((RANK, ROWS_BLK), lambda i: (0, i)),
            pl.BlockSpec((RANK, ROWS_BLK), lambda i: (0, i)),
        ],
        out_shape=[
            jax.ShapeDtypeStruct((RANK, BATCH), jnp.float32),
            jax.ShapeDtypeStruct((RANK, BATCH), jnp.float32),
        ],
    )(rows, mvals, w1t0, b1c0, w2t0, b2c0, w1t1, b1c1, w2t1, b2c1)


def kernel(nodeIdx, leaf_mask, table,
           W1_0, b1_0, W2_0, b2_0, W1_1, b1_1, W2_1, b2_1):
    idx = nodeIdx.astype(jnp.int32)
    rows, mvals = _sc_gather(idx, table, leaf_mask.astype(jnp.int32))
    o0t, o1t = _tc_mlp(
        rows, mvals,
        W1_0, b1_0.reshape(RANK, 1), W2_0, b2_0.reshape(RANK, 1),
        W1_1, b1_1.reshape(RANK, 1), W2_1, b2_1.reshape(RANK, 1))
    return (o0t.T, o1t.T)

# --- scband reference (transcript-rebuilt; emitter-appended) ---
"""Pipeline reference for scband-tree-node-embeddings-23055384445128 (READ-ONLY COPY).

The authoritative reference and input builder live on the scoring server;
editing this copy changes nothing except your own understanding.
"""

import jax, jax.numpy as jnp
import numpy as np

NUM_NODES = 1000000
RANK = 64
CHUNKS = 2
BATCH = 16384


def setup_inputs(seed: int = 0) -> dict:
    key = jax.random.key(seed)
    ks = jax.random.split(key, 16)
    inp = {}
    inp["nodeIdx"] = jax.random.randint(ks[0], (BATCH,), 0, NUM_NODES, dtype=jnp.int32).astype(jnp.int64)
    # tree.leaf_mask: 1 for leaf nodes, 0 for internal nodes
    inp["leaf_mask"] = jax.random.randint(ks[1], (NUM_NODES,), 0, 2, dtype=jnp.int32)
    # Embedding table: [num_nodes, rank * chunks]
    inp["table"] = jax.random.normal(ks[2], (NUM_NODES, RANK * CHUNKS), dtype=jnp.float32) * 0.02
    # Per-chunk transform MLP: Linear(rank, rank) -> ReLU -> Linear(rank, rank)
    for i in range(CHUNKS):
        inp[f"W1_{i}"] = jax.random.normal(ks[3 + 4 * i], (RANK, RANK), dtype=jnp.float32) / np.sqrt(RANK)
        inp[f"b1_{i}"] = jnp.zeros((RANK,), dtype=jnp.float32)
        inp[f"W2_{i}"] = jax.random.normal(ks[4 + 4 * i], (RANK, RANK), dtype=jnp.float32) / np.sqrt(RANK)
        inp[f"b2_{i}"] = jnp.zeros((RANK,), dtype=jnp.float32)
    return inp


def _mlp(e, W1, b1, W2, b2):
    h = jax.nn.relu(e @ W1 + b1)
    return h @ W2 + b2


def reference(nodeIdx, leaf_mask, table, W1_0, b1_0, W2_0, b2_0, W1_1, b1_1, W2_1, b2_1):
    # embeds = self.tree_node_embeddings(nodeIdx)
    embeds = jnp.take(table, nodeIdx, axis=0)  # [B, rank*chunks]
    # embeds.chunk(self.chunks, dim=-1)
    e0, e1 = jnp.split(embeds, CHUNKS, axis=-1)
    # nonLeafIdx = self.tree.leaf_mask[nodeIdx] == 0 (query is None path)
    nonleaf = (jnp.take(leaf_mask, nodeIdx, axis=0) == 0)[:, None]
    # output[i][nonLeafIdx] = transform[i](embeds_list[i][nonLeafIdx]); leaf rows pass through
    o0 = jnp.where(nonleaf, _mlp(e0, W1_0, b1_0, W2_0, b2_0), e0)
    o1 = jnp.where(nonleaf, _mlp(e1, W1_1, b1_1, W2_1, b2_1), e1)
    return (o0, o1)

if __name__ == "__main__":
    import jax
    _d = setup_inputs()
    print(jax.jit(kernel)(*tuple(_d.values())))

</pallas_src>

<mosaic_0001>
#map = affine_map<(d0, d1) -> (0)>
#map1 = affine_map<(d0, d1) -> (0, 0)>
module attributes {stable_mosaic.version = 14 : i64} {
  func.func @_sc_gather_body(%arg0: i32, %arg1: i32, %arg2: memref<16384xi32, #tpu.memory_space<hbm>>, %arg3: memref<1000000x128xf32, #tpu.memory_space<hbm>>, %arg4: memref<1000000xi32, #tpu.memory_space<hbm>>, %arg5: memref<16384x128xf32, #tpu.memory_space<hbm>>, %arg6: memref<16384xi32, #tpu.memory_space<hbm>>, %arg7: memref<512xi32, #tpu.memory_space<vmem>>, %arg8: memref<512x128xf32, #tpu.memory_space<vmem>>, %arg9: memref<512xi32, #tpu.memory_space<vmem>>, %arg10: memref<4x!tpu.dma_semaphore, #tpu.memory_space<semaphore_mem>>, %arg11: memref<!tpu.dma_semaphore, #tpu.memory_space<semaphore_mem>>, %arg12: memref<!tpu.dma_semaphore, #tpu.memory_space<semaphore_mem>>) attributes {dimension_semantics = [#tpu.dimension_semantics<core_parallel>, #tpu.dimension_semantics<subcore_parallel>], iteration_bounds = array<i64: 2, 16>, scalar_prefetch = 0 : i64, scratch_operands = 6 : i64, tpu.core_type = #tpu.core_type<sc_vector_subcore>, window_params = [{transform_indices = #map}, {transform_indices = #map1}, {transform_indices = #map}, {transform_indices = #map1}, {transform_indices = #map}]} {
    %mul3A = arith.constant 2 : i32
    %mul3A_0 = arith.muli %arg1, %mul3A : i32
    %add3A = arith.addi %mul3A_0, %arg0 : i32
    %mul3A_1 = arith.constant 512 : i32
    %mul3A_2 = arith.muli %add3A, %mul3A_1 : i32
    %add3A_3 = arith.constant 0 : i32
    %add3A_4 = arith.addi %mul3A_2, %add3A_3 : i32
    %dma_start3A = arith.constant 0 : i32
    %dma_start3A_5 = arith.constant 0 : i32
    %dma_start3A_6 = tpu.memref_slice %arg7[%dma_start3A_5] : memref<512xi32, #tpu.memory_space<vmem>> -> memref<128xi32, #tpu.memory_space<vmem>>
    %dma_start3A_7 = tpu.memref_slice %arg2[%add3A_4] : memref<16384xi32, #tpu.memory_space<hbm>> -> memref<128xi32, #tpu.memory_space<hbm>>
    %dma_start3A_8 = tpu.memref_slice %arg10[%dma_start3A] : memref<4x!tpu.dma_semaphore, #tpu.memory_space<semaphore_mem>> -> memref<1x!tpu.dma_semaphore, #tpu.memory_space<semaphore_mem>>
    %dma_start3A_9 = tpu.memref_squeeze %dma_start3A_8 : memref<1x!tpu.dma_semaphore, #tpu.memory_space<semaphore_mem>> -> memref<!tpu.dma_semaphore, #tpu.memory_space<semaphore_mem>>
    %dma_start3A_10 = arith.constant 0 : i32
    %dma_start3A_11 = tpu.memref_slice %arg7[%dma_start3A_10] : memref<512xi32, #tpu.memory_space<vmem>> -> memref<128xi32, #tpu.memory_space<vmem>>
    %dma_start3A_12 = tpu.memref_slice %arg2[%add3A_4] : memref<16384xi32, #tpu.memory_space<hbm>> -> memref<128xi32, #tpu.memory_space<hbm>>
    tpu.enqueue_dma source(%dma_start3A_12 : memref<128xi32, #tpu.memory_space<hbm>>) target(%dma_start3A_11 : memref<128xi32, #tpu.memory_space<vmem>>) target_semaphore(%dma_start3A_9 : memref<!tpu.dma_semaphore, #tpu.memory_space<semaphore_mem>>)
    %add3A_13 = arith.constant 128 : i32
    %add3A_14 = arith.addi %mul3A_2, %add3A_13 : i32
    %dma_start3A_15 = arith.constant 1 : i32
    %dma_start3A_16 = arith.constant 128 : i32
    %dma_start3A_17 = tpu.memref_slice %arg7[%dma_start3A_16] : memref<512xi32, #tpu.memory_space<vmem>> -> memref<128xi32, #tpu.memory_space<vmem>>
    %dma_start3A_18 = tpu.memref_slice %arg2[%add3A_14] : memref<16384xi32, #tpu.memory_space<hbm>> -> memref<128xi32, #tpu.memory_space<hbm>>
    %dma_start3A_19 = tpu.memref_slice %arg10[%dma_start3A_15] : memref<4x!tpu.dma_semaphore, #tpu.memory_space<semaphore_mem>> -> memref<1x!tpu.dma_semaphore, #tpu.memory_space<semaphore_mem>>
    %dma_start3A_20 = tpu.memref_squeeze %dma_start3A_19 : memref<1x!tpu.dma_semaphore, #tpu.memory_space<semaphore_mem>> -> memref<!tpu.dma_semaphore, #tpu.memory_space<semaphore_mem>>
    %dma_start3A_21 = arith.constant 128 : i32
    %dma_start3A_22 = tpu.memref_slice %arg7[%dma_start3A_21] : memref<512xi32, #tpu.memory_space<vmem>> -> memref<128xi32, #tpu.memory_space<vmem>>
    %dma_start3A_23 = tpu.memref_slice %arg2[%add3A_14] : memref<16384xi32, #tpu.memory_space<hbm>> -> memref<128xi32, #tpu.memory_space<hbm>>
    tpu.enqueue_dma source(%dma_start3A_23 : memref<128xi32, #tpu.memory_space<hbm>>) target(%dma_start3A_22 : memref<128xi32, #tpu.memory_space<vmem>>) target_semaphore(%dma_start3A_20 : memref<!tpu.dma_semaphore, #tpu.memory_space<semaphore_mem>>)
    %add3A_24 = arith.constant 256 : i32
    %add3A_25 = arith.addi %mul3A_2, %add3A_24 : i32
    %dma_start3A_26 = arith.constant 2 : i32
    %dma_start3A_27 = arith.constant 256 : i32
    %dma_start3A_28 = tpu.memref_slice %arg7[%dma_start3A_27] : memref<512xi32, #tpu.memory_space<vmem>> -> memref<128xi32, #tpu.memory_space<vmem>>
    %dma_start3A_29 = tpu.memref_slice %arg2[%add3A_25] : memref<16384xi32, #tpu.memory_space<hbm>> -> memref<128xi32, #tpu.memory_space<hbm>>
    %dma_start3A_30 = tpu.memref_slice %arg10[%dma_start3A_26] : memref<4x!tpu.dma_semaphore, #tpu.memory_space<semaphore_mem>> -> memref<1x!tpu.dma_semaphore, #tpu.memory_space<semaphore_mem>>
    %dma_start3A_31 = tpu.memref_squeeze %dma_start3A_30 : memref<1x!tpu.dma_semaphore, #tpu.memory_space<semaphore_mem>> -> memref<!tpu.dma_semaphore, #tpu.memory_space<semaphore_mem>>
    %dma_start3A_32 = arith.constant 256 : i32
    %dma_start3A_33 = tpu.memref_slice %arg7[%dma_start3A_32] : memref<512xi32, #tpu.memory_space<vmem>> -> memref<128xi32, #tpu.memory_space<vmem>>
    %dma_start3A_34 = tpu.memref_slice %arg2[%add3A_25] : memref<16384xi32, #tpu.memory_space<hbm>> -> memref<128xi32, #tpu.memory_space<hbm>>
    tpu.enqueue_dma source(%dma_start3A_34 : memref<128xi32, #tpu.memory_space<hbm>>) target(%dma_start3A_33 : memref<128xi32, #tpu.memory_space<vmem>>) target_semaphore(%dma_start3A_31 : memref<!tpu.dma_semaphore, #tpu.memory_space<semaphore_mem>>)
    %add3A_35 = arith.constant 384 : i32
    %add3A_36 = arith.addi %mul3A_2, %add3A_35 : i32
    %dma_start3A_37 = arith.constant 3 : i32
    %dma_start3A_38 = arith.constant 384 : i32
    %dma_start3A_39 = tpu.memref_slice %arg7[%dma_start3A_38] : memref<512xi32, #tpu.memory_space<vmem>> -> memref<128xi32, #tpu.memory_space<vmem>>
    %dma_start3A_40 = tpu.memref_slice %arg2[%add3A_36] : memref<16384xi32, #tpu.memory_space<hbm>> -> memref<128xi32, #tpu.memory_space<hbm>>
    %dma_start3A_41 = tpu.memref_slice %arg10[%dma_start3A_37] : memref<4x!tpu.dma_semaphore, #tpu.memory_space<semaphore_mem>> -> memref<1x!tpu.dma_semaphore, #tpu.memory_space<semaphore_mem>>
    %dma_start3A_42 = tpu.memref_squeeze %dma_start3A_41 : memref<1x!tpu.dma_semaphore, #tpu.memory_space<semaphore_mem>> -> memref<!tpu.dma_semaphore, #tpu.memory_space<semaphore_mem>>
    %dma_start3A_43 = arith.constant 384 : i32
    %dma_start3A_44 = tpu.memref_slice %arg7[%dma_start3A_43] : memref<512xi32, #tpu.memory_space<vmem>> -> memref<128xi32, #tpu.memory_space<vmem>>
    %dma_start3A_45 = tpu.memref_slice %arg2[%add3A_36] : memref<16384xi32, #tpu.memory_space<hbm>> -> memref<128xi32, #tpu.memory_space<hbm>>
    tpu.enqueue_dma source(%dma_start3A_45 : memref<128xi32, #tpu.memory_space<hbm>>) target(%dma_start3A_44 : memref<128xi32, #tpu.memory_space<vmem>>) target_semaphore(%dma_start3A_42 : memref<!tpu.dma_semaphore, #tpu.memory_space<semaphore_mem>>)
    %dma_wait3A = arith.constant 0 : i32
    %dma_wait3A_46 = arith.constant 0 : i32
    %dma_wait3A_47 = tpu.memref_slice %arg7[%dma_wait3A_46] : memref<512xi32, #tpu.memory_space<vmem>> -> memref<128xi32, #tpu.memory_space<vmem>>
    %dma_wait3A_48 = tpu.memref_slice %arg2[%add3A_4] : memref<16384xi32, #tpu.memory_space<hbm>> -> memref<128xi32, #tpu.memory_space<hbm>>
    %dma_wait3A_49 = tpu.memref_slice %arg10[%dma_wait3A] : memref<4x!tpu.dma_semaphore, #tpu.memory_space<semaphore_mem>> -> memref<1x!tpu.dma_semaphore, #tpu.memory_space<semaphore_mem>>
    %dma_wait3A_50 = tpu.memref_squeeze %dma_wait3A_49 : memref<1x!tpu.dma_semaphore, #tpu.memory_space<semaphore_mem>> -> memref<!tpu.dma_semaphore, #tpu.memory_space<semaphore_mem>>
    %dma_wait3A_51 = arith.constant 0 : i32
    %dma_wait3A_52 = tpu.memref_slice %arg7[%dma_wait3A_51] : memref<512xi32, #tpu.memory_space<vmem>> -> memref<128xi32, #tpu.memory_space<vmem>>
    %dma_wait3A_53 = tpu.memref_slice %arg2[%add3A_4] : memref<16384xi32, #tpu.memory_space<hbm>> -> memref<128xi32, #tpu.memory_space<hbm>>
    tpu.wait_dma2 semaphore(%dma_wait3A_50 : memref<!tpu.dma_semaphore, #tpu.memory_space<semaphore_mem>>) src(%dma_wait3A_53 : memref<128xi32, #tpu.memory_space<hbm>>) dst(%dma_wait3A_52 : memref<128xi32, #tpu.memory_space<vmem>>)
    %dma_start3A_54 = arith.constant 0 : i32
    %dma_start3A_55 = arith.constant 0 : i32
    %dma_start3A_56 = arith.constant 0 : i32
    %dma_start3A_57 = tpu.memref_slice %arg8[%dma_start3A_55, %dma_start3A_56] : memref<512x128xf32, #tpu.memory_space<vmem>> -> memref<128x128xf32, #tpu.memory_space<vmem>>
    %dma_start3A_58 = arith.constant 0 : i32
    %dma_start3A_59 = tpu.memref_slice %arg7[%dma_start3A_58] : memref<512xi32, #tpu.memory_space<vmem>> -> memref<128xi32, #tpu.memory_space<vmem>>
    %dma_start3A_60 = arith.constant 0 : i32
    %dma_start3A_61 = arith.constant 0 : i32
    %dma_start3A_62 = tpu.memref_slice %arg3[%dma_start3A_60, %dma_start3A_61] : memref<1000000x128xf32, #tpu.memory_space<hbm>> -> memref<1000000x128xf32, #tpu.memory_space<hbm>>
    %dma_start3A_63 = tpu.memref_slice %arg10[%dma_start3A_54] : memref<4x!tpu.dma_semaphore, #tpu.memory_space<semaphore_mem>> -> memref<1x!tpu.dma_semaphore, #tpu.memory_space<semaphore_mem>>
    %dma_start3A_64 = tpu.memref_squeeze %dma_start3A_63 : memref<1x!tpu.dma_semaphore, #tpu.memory_space<semaphore_mem>> -> memref<!tpu.dma_semaphore, #tpu.memory_space<semaphore_mem>>
    tpu.enqueue_indirect_dma source(%dma_start3A_62 : memref<1000000x128xf32, #tpu.memory_space<hbm>>) target(%dma_start3A_57 : memref<128x128xf32, #tpu.memory_space<vmem>>) offsets(%dma_start3A_59 : memref<128xi32, #tpu.memory_space<vmem>>) semaphore(%dma_start3A_64 : memref<!tpu.dma_semaphore, #tpu.memory_space<semaphore_mem>>)
    %dma_wait3A_65 = arith.constant 1 : i32
    %dma_wait3A_66 = arith.constant 128 : i32
    %dma_wait3A_67 = tpu.memref_slice %arg7[%dma_wait3A_66] : memref<512xi32, #tpu.memory_space<vmem>> -> memref<128xi32, #tpu.memory_space<vmem>>
    %dma_wait3A_68 = tpu.memref_slice %arg2[%add3A_14] : memref<16384xi32, #tpu.memory_space<hbm>> -> memref<128xi32, #tpu.memory_space<hbm>>
    %dma_wait3A_69 = tpu.memref_slice %arg10[%dma_wait3A_65] : memref<4x!tpu.dma_semaphore, #tpu.memory_space<semaphore_mem>> -> memref<1x!tpu.dma_semaphore, #tpu.memory_space<semaphore_mem>>
    %dma_wait3A_70 = tpu.memref_squeeze %dma_wait3A_69 : memref<1x!tpu.dma_semaphore, #tpu.memory_space<semaphore_mem>> -> memref<!tpu.dma_semaphore, #tpu.memory_space<semaphore_mem>>
    %dma_wait3A_71 = arith.constant 128 : i32
    %dma_wait3A_72 = tpu.memref_slice %arg7[%dma_wait3A_71] : memref<512xi32, #tpu.memory_space<vmem>> -> memref<128xi32, #tpu.memory_space<vmem>>
    %dma_wait3A_73 = tpu.memref_slice %arg2[%add3A_14] : memref<16384xi32, #tpu.memory_space<hbm>> -> memref<128xi32, #tpu.memory_space<hbm>>
    tpu.wait_dma2 semaphore(%dma_wait3A_70 : memref<!tpu.dma_semaphore, #tpu.memory_space<semaphore_mem>>) src(%dma_wait3A_73 : memref<128xi32, #tpu.memory_space<hbm>>) dst(%dma_wait3A_72 : memref<128xi32, #tpu.memory_space<vmem>>)
    %dma_start3A_74 = arith.constant 1 : i32
    %dma_start3A_75 = arith.constant 128 : i32
    %dma_start3A_76 = arith.constant 0 : i32
    %dma_start3A_77 = tpu.memref_slice %arg8[%dma_start3A_75, %dma_start3A_76] : memref<512x128xf32, #tpu.memory_space<vmem>> -> memref<128x128xf32, #tpu.memory_space<vmem>>
    %dma_start3A_78 = arith.constant 128 : i32
    %dma_start3A_79 = tpu.memref_slice %arg7[%dma_start3A_78] : memref<512xi32, #tpu.memory_space<vmem>> -> memref<128xi32, #tpu.memory_space<vmem>>
    %dma_start3A_80 = arith.constant 0 : i32
    %dma_start3A_81 = arith.constant 0 : i32
    %dma_start3A_82 = tpu.memref_slice %arg3[%dma_start3A_80, %dma_start3A_81] : memref<1000000x128xf32, #tpu.memory_space<hbm>> -> memref<1000000x128xf32, #tpu.memory_space<hbm>>
    %dma_start3A_83 = tpu.memref_slice %arg10[%dma_start3A_74] : memref<4x!tpu.dma_semaphore, #tpu.memory_space<semaphore_mem>> -> memref<1x!tpu.dma_semaphore, #tpu.memory_space<semaphore_mem>>
    %dma_start3A_84 = tpu.memref_squeeze %dma_start3A_83 : memref<1x!tpu.dma_semaphore, #tpu.memory_space<semaphore_mem>> -> memref<!tpu.dma_semaphore, #tpu.memory_space<semaphore_mem>>
    tpu.enqueue_indirect_dma source(%dma_start3A_82 : memref<1000000x128xf32, #tpu.memory_space<hbm>>) target(%dma_start3A_77 : memref<128x128xf32, #tpu.memory_space<vmem>>) offsets(%dma_start3A_79 : memref<128xi32, #tpu.memory_space<vmem>>) semaphore(%dma_start3A_84 : memref<!tpu.dma_semaphore, #tpu.memory_space<semaphore_mem>>)
    %dma_wait3A_85 = arith.constant 2 : i32
    %dma_wait3A_86 = arith.constant 256 : i32
    %dma_wait3A_87 = tpu.memref_slice %arg7[%dma_wait3A_86] : memref<512xi32, #tpu.memory_space<vmem>> -> memref<128xi32, #tpu.memory_space<vmem>>
    %dma_wait3A_88 = tpu.memref_slice %arg2[%add3A_25] : memref<16384xi32, #tpu.memory_space<hbm>> -> memref<128xi32, #tpu.memory_space<hbm>>
    %dma_wait3A_89 = tpu.memref_slice %arg10[%dma_wait3A_85] : memref<4x!tpu.dma_semaphore, #tpu.memory_space<semaphore_mem>> -> memref<1x!tpu.dma_semaphore, #tpu.memory_space<semaphore_mem>>
    %dma_wait3A_90 = tpu.memref_squeeze %dma_wait3A_89 : memref<1x!tpu.dma_semaphore, #tpu.memory_space<semaphore_mem>> -> memref<!tpu.dma_semaphore, #tpu.memory_space<semaphore_mem>>
    %dma_wait3A_91 = arith.constant 256 : i32
    %dma_wait3A_92 = tpu.memref_slice %arg7[%dma_wait3A_91] : memref<512xi32, #tpu.memory_space<vmem>> -> memref<128xi32, #tpu.memory_space<vmem>>
    %dma_wait3A_93 = tpu.memref_slice %arg2[%add3A_25] : memref<16384xi32, #tpu.memory_space<hbm>> -> memref<128xi32, #tpu.memory_space<hbm>>
    tpu.wait_dma2 semaphore(%dma_wait3A_90 : memref<!tpu.dma_semaphore, #tpu.memory_space<semaphore_mem>>) src(%dma_wait3A_93 : memref<128xi32, #tpu.memory_space<hbm>>) dst(%dma_wait3A_92 : memref<128xi32, #tpu.memory_space<vmem>>)
    %dma_start3A_94 = arith.constant 2 : i32
    %dma_start3A_95 = arith.constant 256 : i32
    %dma_start3A_96 = arith.constant 0 : i32
    %dma_start3A_97 = tpu.memref_slice %arg8[%dma_start3A_95, %dma_start3A_96] : memref<512x128xf32, #tpu.memory_space<vmem>> -> memref<128x128xf32, #tpu.memory_space<vmem>>
    %dma_start3A_98 = arith.constant 256 : i32
    %dma_start3A_99 = tpu.memref_slice %arg7[%dma_start3A_98] : memref<512xi32, #tpu.memory_space<vmem>> -> memref<128xi32, #tpu.memory_space<vmem>>
    %dma_start3A_100 = arith.constant 0 : i32
    %dma_start3A_101 = arith.constant 0 : i32
    %dma_start3A_102 = tpu.memref_slice %arg3[%dma_start3A_100, %dma_start3A_101] : memref<1000000x128xf32, #tpu.memory_space<hbm>> -> memref<1000000x128xf32, #tpu.memory_space<hbm>>
    %dma_start3A_103 = tpu.memref_slice %arg10[%dma_start3A_94] : memref<4x!tpu.dma_semaphore, #tpu.memory_space<semaphore_mem>> -> memref<1x!tpu.dma_semaphore, #tpu.memory_space<semaphore_mem>>
    %dma_start3A_104 = tpu.memref_squeeze %dma_start3A_103 : memref<1x!tpu.dma_semaphore, #tpu.memory_space<semaphore_mem>> -> memref<!tpu.dma_semaphore, #tpu.memory_space<semaphore_mem>>
    tpu.enqueue_indirect_dma source(%dma_start3A_102 : memref<1000000x128xf32, #tpu.memory_space<hbm>>) target(%dma_start3A_97 : memref<128x128xf32, #tpu.memory_space<vmem>>) offsets(%dma_start3A_99 : memref<128xi32, #tpu.memory_space<vmem>>) semaphore(%dma_start3A_104 : memref<!tpu.dma_semaphore, #tpu.memory_space<semaphore_mem>>)
    %dma_wait3A_105 = arith.constant 3 : i32
    %dma_wait3A_106 = arith.constant 384 : i32
    %dma_wait3A_107 = tpu.memref_slice %arg7[%dma_wait3A_106] : memref<512xi32, #tpu.memory_space<vmem>> -> memref<128xi32, #tpu.memory_space<vmem>>
    %dma_wait3A_108 = tpu.memref_slice %arg2[%add3A_36] : memref<16384xi32, #tpu.memory_space<hbm>> -> memref<128xi32, #tpu.memory_space<hbm>>
    %dma_wait3A_109 = tpu.memref_slice %arg10[%dma_wait3A_105] : memref<4x!tpu.dma_semaphore, #tpu.memory_space<semaphore_mem>> -> memref<1x!tpu.dma_semaphore, #tpu.memory_space<semaphore_mem>>
    %dma_wait3A_110 = tpu.memref_squeeze %dma_wait3A_109 : memref<1x!tpu.dma_semaphore, #tpu.memory_space<semaphore_mem>> -> memref<!tpu.dma_semaphore, #tpu.memory_space<semaphore_mem>>
    %dma_wait3A_111 = arith.constant 384 : i32
    %dma_wait3A_112 = tpu.memref_slice %arg7[%dma_wait3A_111] : memref<512xi32, #tpu.memory_space<vmem>> -> memref<128xi32, #tpu.memory_space<vmem>>
    %dma_wait3A_113 = tpu.memref_slice %arg2[%add3A_36] : memref<16384xi32, #tpu.memory_space<hbm>> -> memref<128xi32, #tpu.memory_space<hbm>>
    tpu.wait_dma2 semaphore(%dma_wait3A_110 : memref<!tpu.dma_semaphore, #tpu.memory_space<semaphore_mem>>) src(%dma_wait3A_113 : memref<128xi32, #tpu.memory_space<hbm>>) dst(%dma_wait3A_112 : memref<128xi32, #tpu.memory_space<vmem>>)
    %dma_start3A_114 = arith.constant 3 : i32
    %dma_start3A_115 = arith.constant 384 : i32
    %dma_start3A_116 = arith.constant 0 : i32
    %dma_start3A_117 = tpu.memref_slice %arg8[%dma_start3A_115, %dma_start3A_116] : memref<512x128xf32, #tpu.memory_space<vmem>> -> memref<128x128xf32, #tpu.memory_space<vmem>>
    %dma_start3A_118 = arith.constant 384 : i32
    %dma_start3A_119 = tpu.memref_slice %arg7[%dma_start3A_118] : memref<512xi32, #tpu.memory_space<vmem>> -> memref<128xi32, #tpu.memory_space<vmem>>
    %dma_start3A_120 = arith.constant 0 : i32
    %dma_start3A_121 = arith.constant 0 : i32
    %dma_start3A_122 = tpu.memref_slice %arg3[%dma_start3A_120, %dma_start3A_121] : memref<1000000x128xf32, #tpu.memory_space<hbm>> -> memref<1000000x128xf32, #tpu.memory_space<hbm>>
    %dma_start3A_123 = tpu.memref_slice %arg10[%dma_start3A_114] : memref<4x!tpu.dma_semaphore, #tpu.memory_space<semaphore_mem>> -> memref<1x!tpu.dma_semaphore, #tpu.memory_space<semaphore_mem>>
    %dma_start3A_124 = tpu.memref_squeeze %dma_start3A_123 : memref<1x!tpu.dma_semaphore, #tpu.memory_space<semaphore_mem>> -> memref<!tpu.dma_semaphore, #tpu.memory_space<semaphore_mem>>
    tpu.enqueue_indirect_dma source(%dma_start3A_122 : memref<1000000x128xf32, #tpu.memory_space<hbm>>) target(%dma_start3A_117 : memref<128x128xf32, #tpu.memory_space<vmem>>) offsets(%dma_start3A_119 : memref<128xi32, #tpu.memory_space<vmem>>) semaphore(%dma_start3A_124 : memref<!tpu.dma_semaphore, #tpu.memory_space<semaphore_mem>>)
    %dma_start3A_125 = arith.constant 0 : i32
    %dma_start3A_126 = tpu.memref_slice %arg9[%dma_start3A_125] : memref<512xi32, #tpu.memory_space<vmem>> -> memref<128xi32, #tpu.memory_space<vmem>>
    %dma_start3A_127 = arith.constant 0 : i32
    %dma_start3A_128 = tpu.memref_slice %arg7[%dma_start3A_127] : memref<512xi32, #tpu.memory_space<vmem>> -> memref<128xi32, #tpu.memory_space<vmem>>
    %dma_start3A_129 = arith.constant 0 : i32
    %dma_start3A_130 = tpu.memref_slice %arg4[%dma_start3A_129] : memref<1000000xi32, #tpu.memory_space<hbm>> -> memref<1000000xi32, #tpu.memory_space<hbm>>
    tpu.enqueue_indirect_dma source(%dma_start3A_130 : memref<1000000xi32, #tpu.memory_space<hbm>>) target(%dma_start3A_126 : memref<128xi32, #tpu.memory_space<vmem>>) offsets(%dma_start3A_128 : memref<128xi32, #tpu.memory_space<vmem>>) semaphore(%arg11 : memref<!tpu.dma_semaphore, #tpu.memory_space<semaphore_mem>>)
    %dma_start3A_131 = arith.constant 128 : i32
    %dma_start3A_132 = tpu.memref_slice %arg9[%dma_start3A_131] : memref<512xi32, #tpu.memory_space<vmem>> -> memref<128xi32, #tpu.memory_space<vmem>>
    %dma_start3A_133 = arith.constant 128 : i32
    %dma_start3A_134 = tpu.memref_slice %arg7[%dma_start3A_133] : memref<512xi32, #tpu.memory_space<vmem>> -> memref<128xi32, #tpu.memory_space<vmem>>
    %dma_start3A_135 = arith.constant 0 : i32
    %dma_start3A_136 = tpu.memref_slice %arg4[%dma_start3A_135] : memref<1000000xi32, #tpu.memory_space<hbm>> -> memref<1000000xi32, #tpu.memory_space<hbm>>
    tpu.enqueue_indirect_dma source(%dma_start3A_136 : memref<1000000xi32, #tpu.memory_space<hbm>>) target(%dma_start3A_132 : memref<128xi32, #tpu.memory_space<vmem>>) offsets(%dma_start3A_134 : memref<128xi32, #tpu.memory_space<vmem>>) semaphore(%arg11 : memref<!tpu.dma_semaphore, #tpu.memory_space<semaphore_mem>>)
    %dma_start3A_137 = arith.constant 256 : i32
    %dma_start3A_138 = tpu.memref_slice %arg9[%dma_start3A_137] : memref<512xi32, #tpu.memory_space<vmem>> -> memref<128xi32, #tpu.memory_space<vmem>>
    %dma_start3A_139 = arith.constant 256 : i32
    %dma_start3A_140 = tpu.memref_slice %arg7[%dma_start3A_139] : memref<512xi32, #tpu.memory_space<vmem>> -> memref<128xi32, #tpu.memory_space<vmem>>
    %dma_start3A_141 = arith.constant 0 : i32
    %dma_start3A_142 = tpu.memref_slice %arg4[%dma_start3A_141] : memref<1000000xi32, #tpu.memory_space<hbm>> -> memref<1000000xi32, #tpu.memory_space<hbm>>
    tpu.enqueue_indirect_dma source(%dma_start3A_142 : memref<1000000xi32, #tpu.memory_space<hbm>>) target(%dma_start3A_138 : memref<128xi32, #tpu.memory_space<vmem>>) offsets(%dma_start3A_140 : memref<128xi32, #tpu.memory_space<vmem>>) semaphore(%arg11 : memref<!tpu.dma_semaphore, #tpu.memory_space<semaphore_mem>>)
    %dma_start3A_143 = arith.constant 384 : i32
    %dma_start3A_144 = tpu.memref_slice %arg9[%dma_start3A_143] : memref<512xi32, #tpu.memory_space<vmem>> -> memref<128xi32, #tpu.memory_space<vmem>>
    %dma_start3A_145 = arith.constant 384 : i32
    %dma_start3A_146 = tpu.memref_slice %arg7[%dma_start3A_145] : memref<512xi32, #tpu.memory_space<vmem>> -> memref<128xi32, #tpu.memory_space<vmem>>
    %dma_start3A_147 = arith.constant 0 : i32
    %dma_start3A_148 = tpu.memref_slice %arg4[%dma_start3A_147] : memref<1000000xi32, #tpu.memory_space<hbm>> -> memref<1000000xi32, #tpu.memory_space<hbm>>
    tpu.enqueue_indirect_dma source(%dma_start3A_148 : memref<1000000xi32, #tpu.memory_space<hbm>>) target(%dma_start3A_144 : memref<128xi32, #tpu.memory_space<vmem>>) offsets(%dma_start3A_146 : memref<128xi32, #tpu.memory_space<vmem>>) semaphore(%arg11 : memref<!tpu.dma_semaphore, #tpu.memory_space<semaphore_mem>>)
    %dma_wait3A_149 = arith.constant 0 : i32
    %dma_wait3A_150 = arith.constant 0 : i32
    %dma_wait3A_151 = arith.constant 0 : i32
    %dma_wait3A_152 = tpu.memref_slice %arg8[%dma_wait3A_150, %dma_wait3A_151] : memref<512x128xf32, #tpu.memory_space<vmem>> -> memref<128x128xf32, #tpu.memory_space<vmem>>
    %dma_wait3A_153 = arith.constant 0 : i32
    %dma_wait3A_154 = tpu.memref_slice %arg7[%dma_wait3A_153] : memref<512xi32, #tpu.memory_space<vmem>> -> memref<128xi32, #tpu.memory_space<vmem>>
    %dma_wait3A_155 = arith.constant 0 : i32
    %dma_wait3A_156 = arith.constant 0 : i32
    %dma_wait3A_157 = tpu.memref_slice %arg3[%dma_wait3A_155, %dma_wait3A_156] : memref<1000000x128xf32, #tpu.memory_space<hbm>> -> memref<1000000x128xf32, #tpu.memory_space<hbm>>
    %dma_wait3A_158 = tpu.memref_slice %arg10[%dma_wait3A_149] : memref<4x!tpu.dma_semaphore, #tpu.memory_space<semaphore_mem>> -> memref<1x!tpu.dma_semaphore, #tpu.memory_space<semaphore_mem>>
    %dma_wait3A_159 = tpu.memref_squeeze %dma_wait3A_158 : memref<1x!tpu.dma_semaphore, #tpu.memory_space<semaphore_mem>> -> memref<!tpu.dma_semaphore, #tpu.memory_space<semaphore_mem>>
    tpu.wait_indirect_dma semaphore(%dma_wait3A_159 : memref<!tpu.dma_semaphore, #tpu.memory_space<semaphore_mem>>) src(%dma_wait3A_157 : memref<1000000x128xf32, #tpu.memory_space<hbm>>) dst(%dma_wait3A_152 : memref<128x128xf32, #tpu.memory_space<vmem>>)
    %add3A_160 = arith.constant 0 : i32
    %add3A_161 = arith.addi %mul3A_2, %add3A_160 : i32
    %dma_start3A_162 = arith.constant 0 : i32
    %dma_start3A_163 = arith.constant 0 : i32
    %dma_start3A_164 = tpu.memref_slice %arg8[%dma_start3A_162, %dma_start3A_163] : memref<512x128xf32, #tpu.memory_space<vmem>> -> memref<128x128xf32, #tpu.memory_space<vmem>>
    %dma_start3A_165 = arith.constant 0 : i32
    %dma_start3A_166 = tpu.memref_slice %arg5[%add3A_161, %dma_start3A_165] : memref<16384x128xf32, #tpu.memory_space<hbm>> -> memref<128x128xf32, #tpu.memory_space<hbm>>
    %dma_start3A_167 = arith.constant 0 : i32
    %dma_start3A_168 = tpu.memref_slice %arg5[%add3A_161, %dma_start3A_167] : memref<16384x128xf32, #tpu.memory_space<hbm>> -> memref<128x128xf32, #tpu.memory_space<hbm>>
    %dma_start3A_169 = arith.constant 0 : i32
    %dma_start3A_170 = arith.constant 0 : i32
    %dma_start3A_171 = tpu.memref_slice %arg8[%dma_start3A_169, %dma_start3A_170] : memref<512x128xf32, #tpu.memory_space<vmem>> -> memref<128x128xf32, #tpu.memory_space<vmem>>
    tpu.enqueue_dma source(%dma_start3A_171 : memref<128x128xf32, #tpu.memory_space<vmem>>) target(%dma_start3A_168 : memref<128x128xf32, #tpu.memory_space<hbm>>) target_semaphore(%arg12 : memref<!tpu.dma_semaphore, #tpu.memory_space<semaphore_mem>>)
    %dma_wait3A_172 = arith.constant 1 : i32
    %dma_wait3A_173 = arith.constant 128 : i32
    %dma_wait3A_174 = arith.constant 0 : i32
    %dma_wait3A_175 = tpu.memref_slice %arg8[%dma_wait3A_173, %dma_wait3A_174] : memref<512x128xf32, #tpu.memory_space<vmem>> -> memref<128x128xf32, #tpu.memory_space<vmem>>
    %dma_wait3A_176 = arith.constant 128 : i32
    %dma_wait3A_177 = tpu.memref_slice %arg7[%dma_wait3A_176] : memref<512xi32, #tpu.memory_space<vmem>> -> memref<128xi32, #tpu.memory_space<vmem>>
    %dma_wait3A_178 = arith.constant 0 : i32
    %dma_wait3A_179 = arith.constant 0 : i32
    %dma_wait3A_180 = tpu.memref_slice %arg3[%dma_wait3A_178, %dma_wait3A_179] : memref<1000000x128xf32, #tpu.memory_space<hbm>> -> memref<1000000x128xf32, #tpu.memory_space<hbm>>
    %dma_wait3A_181 = tpu.memref_slice %arg10[%dma_wait3A_172] : memref<4x!tpu.dma_semaphore, #tpu.memory_space<semaphore_mem>> -> memref<1x!tpu.dma_semaphore, #tpu.memory_space<semaphore_mem>>
    %dma_wait3A_182 = tpu.memref_squeeze %dma_wait3A_181 : memref<1x!tpu.dma_semaphore, #tpu.memory_space<semaphore_mem>> -> memref<!tpu.dma_semaphore, #tpu.memory_space<semaphore_mem>>
    tpu.wait_indirect_dma semaphore(%dma_wait3A_182 : memref<!tpu.dma_semaphore, #tpu.memory_space<semaphore_mem>>) src(%dma_wait3A_180 : memref<1000000x128xf32, #tpu.memory_space<hbm>>) dst(%dma_wait3A_175 : memref<128x128xf32, #tpu.memory_space<vmem>>)
    %add3A_183 = arith.constant 128 : i32
    %add3A_184 = arith.addi %mul3A_2, %add3A_183 : i32
    %dma_start3A_185 = arith.constant 128 : i32
    %dma_start3A_186 = arith.constant 0 : i32
    %dma_start3A_187 = tpu.memref_slice %arg8[%dma_start3A_185, %dma_start3A_186] : memref<512x128xf32, #tpu.memory_space<vmem>> -> memref<128x128xf32, #tpu.memory_space<vmem>>
    %dma_start3A_188 = arith.constant 0 : i32
    %dma_start3A_189 = tpu.memref_slice %arg5[%add3A_184, %dma_start3A_188] : memref<16384x128xf32, #tpu.memory_space<hbm>> -> memref<128x128xf32, #tpu.memory_space<hbm>>
    %dma_start3A_190 = arith.constant 0 : i32
    %dma_start3A_191 = tpu.memref_slice %arg5[%add3A_184, %dma_start3A_190] : memref<16384x128xf32, #tpu.memory_space<hbm>> -> memref<128x128xf32, #tpu.memory_space<hbm>>
    %dma_start3A_192 = arith.constant 128 : i32
    %dma_start3A_193 = arith.constant 0 : i32
    %dma_start3A_194 = tpu.memref_slice %arg8[%dma_start3A_192, %dma_start3A_193] : memref<512x128xf32, #tpu.memory_space<vmem>> -> memref<128x128xf32, #tpu.memory_space<vmem>>
    tpu.enqueue_dma source(%dma_start3A_194 : memref<128x128xf32, #tpu.memory_space<vmem>>) target(%dma_start3A_191 : memref<128x128xf32, #tpu.memory_space<hbm>>) target_semaphore(%arg12 : memref<!tpu.dma_semaphore, #tpu.memory_space<semaphore_mem>>)
    %dma_wait3A_195 = arith.constant 2 : i32
    %dma_wait3A_196 = arith.constant 256 : i32
    %dma_wait3A_197 = arith.constant 0 : i32
    %dma_wait3A_198 = tpu.memref_slice %arg8[%dma_wait3A_196, %dma_wait3A_197] : memref<512x128xf32, #tpu.memory_space<vmem>> -> memref<128x128xf32, #tpu.memory_space<vmem>>
    %dma_wait3A_199 = arith.constant 256 : i32
    %dma_wait3A_200 = tpu.memref_slice %arg7[%dma_wait3A_199] : memref<512xi32, #tpu.memory_space<vmem>> -> memref<128xi32, #tpu.memory_space<vmem>>
    %dma_wait3A_201 = arith.constant 0 : i32
    %dma_wait3A_202 = arith.constant 0 : i32
    %dma_wait3A_203 = tpu.memref_slice %arg3[%dma_wait3A_201, %dma_wait3A_202] : memref<1000000x128xf32, #tpu.memory_space<hbm>> -> memref<1000000x128xf32, #tpu.memory_space<hbm>>
    %dma_wait3A_204 = tpu.memref_slice %arg10[%dma_wait3A_195] : memref<4x!tpu.dma_semaphore, #tpu.memory_space<semaphore_mem>> -> memref<1x!tpu.dma_semaphore, #tpu.memory_space<semaphore_mem>>
    %dma_wait3A_205 = tpu.memref_squeeze %dma_wait3A_204 : memref<1x!tpu.dma_semaphore, #tpu.memory_space<semaphore_mem>> -> memref<!tpu.dma_semaphore, #tpu.memory_space<semaphore_mem>>
    tpu.wait_indirect_dma semaphore(%dma_wait3A_205 : memref<!tpu.dma_semaphore, #tpu.memory_space<semaphore_mem>>) src(%dma_wait3A_203 : memref<1000000x128xf32, #tpu.memory_space<hbm>>) dst(%dma_wait3A_198 : memref<128x128xf32, #tpu.memory_space<vmem>>)
    %add3A_206 = arith.constant 256 : i32
    %add3A_207 = arith.addi %mul3A_2, %add3A_206 : i32
    %dma_start3A_208 = arith.constant 256 : i32
    %dma_start3A_209 = arith.constant 0 : i32
    %dma_start3A_210 = tpu.memref_slice %arg8[%dma_start3A_208, %dma_start3A_209] : memref<512x128xf32, #tpu.memory_space<vmem>> -> memref<128x128xf32, #tpu.memory_space<vmem>>
    %dma_start3A_211 = arith.constant 0 : i32
    %dma_start3A_212 = tpu.memref_slice %arg5[%add3A_207, %dma_start3A_211] : memref<16384x128xf32, #tpu.memory_space<hbm>> -> memref<128x128xf32, #tpu.memory_space<hbm>>
    %dma_start3A_213 = arith.constant 0 : i32
    %dma_start3A_214 = tpu.memref_slice %arg5[%add3A_207, %dma_start3A_213] : memref<16384x128xf32, #tpu.memory_space<hbm>> -> memref<128x128xf32, #tpu.memory_space<hbm>>
    %dma_start3A_215 = arith.constant 256 : i32
    %dma_start3A_216 = arith.constant 0 : i32
    %dma_start3A_217 = tpu.memref_slice %arg8[%dma_start3A_215, %dma_start3A_216] : memref<512x128xf32, #tpu.memory_space<vmem>> -> memref<128x128xf32, #tpu.memory_space<vmem>>
    tpu.enqueue_dma source(%dma_start3A_217 : memref<128x128xf32, #tpu.memory_space<vmem>>) target(%dma_start3A_214 : memref<128x128xf32, #tpu.memory_space<hbm>>) target_semaphore(%arg12 : memref<!tpu.dma_semaphore, #tpu.memory_space<semaphore_mem>>)
    %dma_wait3A_218 = arith.constant 3 : i32
    %dma_wait3A_219 = arith.constant 384 : i32
    %dma_wait3A_220 = arith.constant 0 : i32
    %dma_wait3A_221 = tpu.memref_slice %arg8[%dma_wait3A_219, %dma_wait3A_220] : memref<512x128xf32, #tpu.memory_space<vmem>> -> memref<128x128xf32, #tpu.memory_space<vmem>>
    %dma_wait3A_222 = arith.constant 384 : i32
    %dma_wait3A_223 = tpu.memref_slice %arg7[%dma_wait3A_222] : memref<512xi32, #tpu.memory_space<vmem>> -> memref<128xi32, #tpu.memory_space<vmem>>
    %dma_wait3A_224 = arith.constant 0 : i32
    %dma_wait3A_225 = arith.constant 0 : i32
    %dma_wait3A_226 = tpu.memref_slice %arg3[%dma_wait3A_224, %dma_wait3A_225] : memref<1000000x128xf32, #tpu.memory_space<hbm>> -> memref<1000000x128xf32, #tpu.memory_space<hbm>>
    %dma_wait3A_227 = tpu.memref_slice %arg10[%dma_wait3A_218] : memref<4x!tpu.dma_semaphore, #tpu.memory_space<semaphore_mem>> -> memref<1x!tpu.dma_semaphore, #tpu.memory_space<semaphore_mem>>
    %dma_wait3A_228 = tpu.memref_squeeze %dma_wait3A_227 : memref<1x!tpu.dma_semaphore, #tpu.memory_space<semaphore_mem>> -> memref<!tpu.dma_semaphore, #tpu.memory_space<semaphore_mem>>
    tpu.wait_indirect_dma semaphore(%dma_wait3A_228 : memref<!tpu.dma_semaphore, #tpu.memory_space<semaphore_mem>>) src(%dma_wait3A_226 : memref<1000000x128xf32, #tpu.memory_space<hbm>>) dst(%dma_wait3A_221 : memref<128x128xf32, #tpu.memory_space<vmem>>)
    %add3A_229 = arith.constant 384 : i32
    %add3A_230 = arith.addi %mul3A_2, %add3A_229 : i32
    %dma_start3A_231 = arith.constant 384 : i32
    %dma_start3A_232 = arith.constant 0 : i32
    %dma_start3A_233 = tpu.memref_slice %arg8[%dma_start3A_231, %dma_start3A_232] : memref<512x128xf32, #tpu.memory_space<vmem>> -> memref<128x128xf32, #tpu.memory_space<vmem>>
    %dma_start3A_234 = arith.constant 0 : i32
    %dma_start3A_235 = tpu.memref_slice %arg5[%add3A_230, %dma_start3A_234] : memref<16384x128xf32, #tpu.memory_space<hbm>> -> memref<128x128xf32, #tpu.memory_space<hbm>>
    %dma_start3A_236 = arith.constant 0 : i32
    %dma_start3A_237 = tpu.memref_slice %arg5[%add3A_230, %dma_start3A_236] : memref<16384x128xf32, #tpu.memory_space<hbm>> -> memref<128x128xf32, #tpu.memory_space<hbm>>
    %dma_start3A_238 = arith.constant 384 : i32
    %dma_start3A_239 = arith.constant 0 : i32
    %dma_start3A_240 = tpu.memref_slice %arg8[%dma_start3A_238, %dma_start3A_239] : memref<512x128xf32, #tpu.memory_space<vmem>> -> memref<128x128xf32, #tpu.memory_space<vmem>>
    tpu.enqueue_dma source(%dma_start3A_240 : memref<128x128xf32, #tpu.memory_space<vmem>>) target(%dma_start3A_237 : memref<128x128xf32, #tpu.memory_space<hbm>>) target_semaphore(%arg12 : memref<!tpu.dma_semaphore, #tpu.memory_space<semaphore_mem>>)
    %dma_wait3A_241 = arith.constant 0 : i32
    %dma_wait3A_242 = tpu.memref_slice %arg9[%dma_wait3A_241] : memref<512xi32, #tpu.memory_space<vmem>> -> memref<128xi32, #tpu.memory_space<vmem>>
    %dma_wait3A_243 = arith.constant 0 : i32
    %dma_wait3A_244 = tpu.memref_slice %arg7[%dma_wait3A_243] : memref<512xi32, #tpu.memory_space<vmem>> -> memref<128xi32, #tpu.memory_space<vmem>>
    %dma_wait3A_245 = arith.constant 0 : i32
    %dma_wait3A_246 = tpu.memref_slice %arg4[%dma_wait3A_245] : memref<1000000xi32, #tpu.memory_space<hbm>> -> memref<1000000xi32, #tpu.memory_space<hbm>>
    tpu.wait_indirect_dma semaphore(%arg11 : memref<!tpu.dma_semaphore, #tpu.memory_space<semaphore_mem>>) src(%dma_wait3A_246 : memref<1000000xi32, #tpu.memory_space<hbm>>) dst(%dma_wait3A_242 : memref<128xi32, #tpu.memory_space<vmem>>)
    %dma_wait3A_247 = arith.constant 128 : i32
    %dma_wait3A_248 = tpu.memref_slice %arg9[%dma_wait3A_247] : memref<512xi32, #tpu.memory_space<vmem>> -> memref<128xi32, #tpu.memory_space<vmem>>
    %dma_wait3A_249 = arith.constant 128 : i32
    %dma_wait3A_250 = tpu.memref_slice %arg7[%dma_wait3A_249] : memref<512xi32, #tpu.memory_space<vmem>> -> memref<128xi32, #tpu.memory_space<vmem>>
    %dma_wait3A_251 = arith.constant 0 : i32
    %dma_wait3A_252 = tpu.memref_slice %arg4[%dma_wait3A_251] : memref<1000000xi32, #tpu.memory_space<hbm>> -> memref<1000000xi32, #tpu.memory_space<hbm>>
    tpu.wait_indirect_dma semaphore(%arg11 : memref<!tpu.dma_semaphore, #tpu.memory_space<semaphore_mem>>) src(%dma_wait3A_252 : memref<1000000xi32, #tpu.memory_space<hbm>>) dst(%dma_wait3A_248 : memref<128xi32, #tpu.memory_space<vmem>>)
    %dma_wait3A_253 = arith.constant 256 : i32
    %dma_wait3A_254 = tpu.memref_slice %arg9[%dma_wait3A_253] : memref<512xi32, #tpu.memory_space<vmem>> -> memref<128xi32, #tpu.memory_space<vmem>>
    %dma_wait3A_255 = arith.constant 256 : i32
    %dma_wait3A_256 = tpu.memref_slice %arg7[%dma_wait3A_255] : memref<512xi32, #tpu.memory_space<vmem>> -> memref<128xi32, #tpu.memory_space<vmem>>
    %dma_wait3A_257 = arith.constant 0 : i32
    %dma_wait3A_258 = tpu.memref_slice %arg4[%dma_wait3A_257] : memref<1000000xi32, #tpu.memory_space<hbm>> -> memref<1000000xi32, #tpu.memory_space<hbm>>
    tpu.wait_indirect_dma semaphore(%arg11 : memref<!tpu.dma_semaphore, #tpu.memory_space<semaphore_mem>>) src(%dma_wait3A_258 : memref<1000000xi32, #tpu.memory_space<hbm>>) dst(%dma_wait3A_254 : memref<128xi32, #tpu.memory_space<vmem>>)
    %dma_wait3A_259 = arith.constant 384 : i32
    %dma_wait3A_260 = tpu.memref_slice %arg9[%dma_wait3A_259] : memref<512xi32, #tpu.memory_space<vmem>> -> memref<128xi32, #tpu.memory_space<vmem>>
    %dma_wait3A_261 = arith.constant 384 : i32
    %dma_wait3A_262 = tpu.memref_slice %arg7[%dma_wait3A_261] : memref<512xi32, #tpu.memory_space<vmem>> -> memref<128xi32, #tpu.memory_space<vmem>>
    %dma_wait3A_263 = arith.constant 0 : i32
    %dma_wait3A_264 = tpu.memref_slice %arg4[%dma_wait3A_263] : memref<1000000xi32, #tpu.memory_space<hbm>> -> memref<1000000xi32, #tpu.memory_space<hbm>>
    tpu.wait_indirect_dma semaphore(%arg11 : memref<!tpu.dma_semaphore, #tpu.memory_space<semaphore_mem>>) src(%dma_wait3A_264 : memref<1000000xi32, #tpu.memory_space<hbm>>) dst(%dma_wait3A_260 : memref<128xi32, #tpu.memory_space<vmem>>)
    %dma_start3A_265 = tpu.memref_slice %arg6[%mul3A_2] : memref<16384xi32, #tpu.memory_space<hbm>> -> memref<512xi32, #tpu.memory_space<hbm>>
    %dma_start3A_266 = tpu.memref_slice %arg6[%mul3A_2] : memref<16384xi32, #tpu.memory_space<hbm>> -> memref<512xi32, #tpu.memory_space<hbm>>
    tpu.enqueue_dma source(%arg9 : memref<512xi32, #tpu.memory_space<vmem>>) target(%dma_start3A_266 : memref<512xi32, #tpu.memory_space<hbm>>) target_semaphore(%arg12 : memref<!tpu.dma_semaphore, #tpu.memory_space<semaphore_mem>>)
    %dma_wait3A_267 = arith.constant 0 : i32
    %dma_wait3A_268 = arith.constant 0 : i32
    %dma_wait3A_269 = tpu.memref_slice %arg8[%dma_wait3A_267, %dma_wait3A_268] : memref<512x128xf32, #tpu.memory_space<vmem>> -> memref<128x128xf32, #tpu.memory_space<vmem>>
    %dma_wait3A_270 = arith.constant 0 : i32
    %dma_wait3A_271 = tpu.memref_slice %arg5[%add3A_161, %dma_wait3A_270] : memref<16384x128xf32, #tpu.memory_space<hbm>> -> memref<128x128xf32, #tpu.memory_space<hbm>>
    %dma_wait3A_272 = arith.constant 0 : i32
    %dma_wait3A_273 = tpu.memref_slice %arg5[%add3A_161, %dma_wait3A_272] : memref<16384x128xf32, #tpu.memory_space<hbm>> -> memref<128x128xf32, #tpu.memory_space<hbm>>
    %dma_wait3A_274 = arith.constant 0 : i32
    %dma_wait3A_275 = arith.constant 0 : i32
    %dma_wait3A_276 = tpu.memref_slice %arg8[%dma_wait3A_274, %dma_wait3A_275] : memref<512x128xf32, #tpu.memory_space<vmem>> -> memref<128x128xf32, #tpu.memory_space<vmem>>
    tpu.wait_dma2 semaphore(%arg12 : memref<!tpu.dma_semaphore, #tpu.memory_space<semaphore_mem>>) src(%dma_wait3A_276 : memref<128x128xf32, #tpu.memory_space<vmem>>) dst(%dma_wait3A_273 : memref<128x128xf32, #tpu.memory_space<hbm>>)
    %dma_wait3A_277 = arith.constant 128 : i32
    %dma_wait3A_278 = arith.constant 0 : i32
    %dma_wait3A_279 = tpu.memref_slice %arg8[%dma_wait3A_277, %dma_wait3A_278] : memref<512x128xf32, #tpu.memory_space<vmem>> -> memref<128x128xf32, #tpu.memory_space<vmem>>
    %dma_wait3A_280 = arith.constant 0 : i32
    %dma_wait3A_281 = tpu.memref_slice %arg5[%add3A_184, %dma_wait3A_280] : memref<16384x128xf32, #tpu.memory_space<hbm>> -> memref<128x128xf32, #tpu.memory_space<hbm>>
    %dma_wait3A_282 = arith.constant 0 : i32
    %dma_wait3A_283 = tpu.memref_slice %arg5[%add3A_184, %dma_wait3A_282] : memref<16384x128xf32, #tpu.memory_space<hbm>> -> memref<128x128xf32, #tpu.memory_space<hbm>>
    %dma_wait3A_284 = arith.constant 128 : i32
    %dma_wait3A_285 = arith.constant 0 : i32
    %dma_wait3A_286 = tpu.memref_slice %arg8[%dma_wait3A_284, %dma_wait3A_285] : memref<512x128xf32, #tpu.memory_space<vmem>> -> memref<128x128xf32, #tpu.memory_space<vmem>>
    tpu.wait_dma2 semaphore(%arg12 : memref<!tpu.dma_semaphore, #tpu.memory_space<semaphore_mem>>) src(%dma_wait3A_286 : memref<128x128xf32, #tpu.memory_space<vmem>>) dst(%dma_wait3A_283 : memref<128x128xf32, #tpu.memory_space<hbm>>)
    %dma_wait3A_287 = arith.constant 256 : i32
    %dma_wait3A_288 = arith.constant 0 : i32
    %dma_wait3A_289 = tpu.memref_slice %arg8[%dma_wait3A_287, %dma_wait3A_288] : memref<512x128xf32, #tpu.memory_space<vmem>> -> memref<128x128xf32, #tpu.memory_space<vmem>>
    %dma_wait3A_290 = arith.constant 0 : i32
    %dma_wait3A_291 = tpu.memref_slice %arg5[%add3A_207, %dma_wait3A_290] : memref<16384x128xf32, #tpu.memory_space<hbm>> -> memref<128x128xf32, #tpu.memory_space<hbm>>
    %dma_wait3A_292 = arith.constant 0 : i32
    %dma_wait3A_293 = tpu.memref_slice %arg5[%add3A_207, %dma_wait3A_292] : memref<16384x128xf32, #tpu.memory_space<hbm>> -> memref<128x128xf32, #tpu.memory_space<hbm>>
    %dma_wait3A_294 = arith.constant 256 : i32
    %dma_wait3A_295 = arith.constant 0 : i32
    %dma_wait3A_296 = tpu.memref_slice %arg8[%dma_wait3A_294, %dma_wait3A_295] : memref<512x128xf32, #tpu.memory_space<vmem>> -> memref<128x128xf32, #tpu.memory_space<vmem>>
    tpu.wait_dma2 semaphore(%arg12 : memref<!tpu.dma_semaphore, #tpu.memory_space<semaphore_mem>>) src(%dma_wait3A_296 : memref<128x128xf32, #tpu.memory_space<vmem>>) dst(%dma_wait3A_293 : memref<128x128xf32, #tpu.memory_space<hbm>>)
    %dma_wait3A_297 = arith.constant 384 : i32
    %dma_wait3A_298 = arith.constant 0 : i32
    %dma_wait3A_299 = tpu.memref_slice %arg8[%dma_wait3A_297, %dma_wait3A_298] : memref<512x128xf32, #tpu.memory_space<vmem>> -> memref<128x128xf32, #tpu.memory_space<vmem>>
    %dma_wait3A_300 = arith.constant 0 : i32
    %dma_wait3A_301 = tpu.memref_slice %arg5[%add3A_230, %dma_wait3A_300] : memref<16384x128xf32, #tpu.memory_space<hbm>> -> memref<128x128xf32, #tpu.memory_space<hbm>>
    %dma_wait3A_302 = arith.constant 0 : i32
    %dma_wait3A_303 = tpu.memref_slice %arg5[%add3A_230, %dma_wait3A_302] : memref<16384x128xf32, #tpu.memory_space<hbm>> -> memref<128x128xf32, #tpu.memory_space<hbm>>
    %dma_wait3A_304 = arith.constant 384 : i32
    %dma_wait3A_305 = arith.constant 0 : i32
    %dma_wait3A_306 = tpu.memref_slice %arg8[%dma_wait3A_304, %dma_wait3A_305] : memref<512x128xf32, #tpu.memory_space<vmem>> -> memref<128x128xf32, #tpu.memory_space<vmem>>
    tpu.wait_dma2 semaphore(%arg12 : memref<!tpu.dma_semaphore, #tpu.memory_space<semaphore_mem>>) src(%dma_wait3A_306 : memref<128x128xf32, #tpu.memory_space<vmem>>) dst(%dma_wait3A_303 : memref<128x128xf32, #tpu.memory_space<hbm>>)
    %dma_wait3A_307 = tpu.memref_slice %arg6[%mul3A_2] : memref<16384xi32, #tpu.memory_space<hbm>> -> memref<512xi32, #tpu.memory_space<hbm>>
    %dma_wait3A_308 = tpu.memref_slice %arg6[%mul3A_2] : memref<16384xi32, #tpu.memory_space<hbm>> -> memref<512xi32, #tpu.memory_space<hbm>>
    tpu.wait_dma2 semaphore(%arg12 : memref<!tpu.dma_semaphore, #tpu.memory_space<semaphore_mem>>) src(%arg9 : memref<512xi32, #tpu.memory_space<vmem>>) dst(%dma_wait3A_308 : memref<512xi32, #tpu.memory_space<hbm>>)
    return
  }
}

module attributes {stable_mosaic.version = 14 : i64} {
  func.func @_tc_mlp_body(%arg0: i32, %arg1: memref<4096x128xf32, #tpu.memory_space<vmem>>, %arg2: memref<4096xi32, #tpu.memory_space<vmem>>, %arg3: memref<64x64xf32, #tpu.memory_space<vmem>>, %arg4: memref<64x1xf32, #tpu.memory_space<vmem>>, %arg5: memref<64x64xf32, #tpu.memory_space<vmem>>, %arg6: memref<64x1xf32, #tpu.memory_space<vmem>>, %arg7: memref<64x64xf32, #tpu.memory_space<vmem>>, %arg8: memref<64x1xf32, #tpu.memory_space<vmem>>, %arg9: memref<64x64xf32, #tpu.memory_space<vmem>>, %arg10: memref<64x1xf32, #tpu.memory_space<vmem>>, %arg11: memref<64x4096xf32, #tpu.memory_space<vmem>>, %arg12: memref<64x4096xf32, #tpu.memory_space<vmem>>) attributes {dimension_semantics = [#tpu.dimension_semantics<arbitrary>], iteration_bounds = array<i64: 4>, scalar_prefetch = 0 : i64, scratch_operands = 0 : i64, tpu.core_type = #tpu.core_type<tc>, window_params = [{transform_indices = @transform_0, window_bounds = array<i64: 4096, 128>}, {transform_indices = @transform_1, window_bounds = array<i64: 4096>}, {pipeline_mode = #tpu.pipeline_mode<synchronous>, transform_indices = @transform_2, window_bounds = array<i64: 64, 64>}, {pipeline_mode = #tpu.pipeline_mode<synchronous>, transform_indices = @transform_3, window_bounds = array<i64: 64, 1>}, {pipeline_mode = #tpu.pipeline_mode<synchronous>, transform_indices = @transform_4, window_bounds = array<i64: 64, 64>}, {pipeline_mode = #tpu.pipeline_mode<synchronous>, transform_indices = @transform_5, window_bounds = array<i64: 64, 1>}, {pipeline_mode = #tpu.pipeline_mode<synchronous>, transform_indices = @transform_6, window_bounds = array<i64: 64, 64>}, {pipeline_mode = #tpu.pipeline_mode<synchronous>, transform_indices = @transform_7, window_bounds = array<i64: 64, 1>}, {pipeline_mode = #tpu.pipeline_mode<synchronous>, transform_indices = @transform_8, window_bounds = array<i64: 64, 64>}, {pipeline_mode = #tpu.pipeline_mode<synchronous>, transform_indices = @transform_9, window_bounds = array<i64: 64, 1>}, {transform_indices = @transform_10, window_bounds = array<i64: 64, 4096>}, {transform_indices = @transform_11, window_bounds = array<i64: 64, 4096>}]} {
    %get3A = arith.constant 0 : index
    %get3A_0 = arith.constant 0 : index
    %get3A_1 = vector.load %arg1[%get3A, %get3A_0] : memref<4096x128xf32, #tpu.memory_space<vmem>>, vector<4096x128xf32>
    %get3A_2 = arith.constant 0 : index
    %get3A_3 = vector.load %arg2[%get3A_2] : memref<4096xi32, #tpu.memory_space<vmem>>, vector<4096xi32>
    %eq3A = arith.constant 0 : i32
    %eq3A_4 = vector.broadcast %eq3A : i32 to vector<4096xi32>
    %eq3A_5 = arith.cmpi eq, %get3A_3, %eq3A_4 : vector<4096xi32>
    %broadcast_in_dim3A = vector.shape_cast %eq3A_5 : vector<4096xi1> to vector<1x4096xi1>
    %slice3A = vector.extract_strided_slice %get3A_1 {offsets = [0, 0], sizes = [4096, 64], strides = [1, 1]} : vector<4096x128xf32> to vector<4096x64xf32>
    %slice3A_6 = vector.extract_strided_slice %get3A_1 {offsets = [0, 64], sizes = [4096, 64], strides = [1, 1]} : vector<4096x128xf32> to vector<4096x64xf32>
    %iota3A = tpu.iota {dimensions = array<i32: 0>} : vector<64x64xi32>
    %iota3A_7 = tpu.iota {dimensions = array<i32: 1>} : vector<64x64xi32>
    %eq3A_8 = arith.cmpi eq, %iota3A, %iota3A_7 : vector<64x64xi32>
    %convert_element_type3A = arith.extui %eq3A_8 : vector<64x64xi1> to vector<64x64xi32>
    %convert_element_type3A_9 = arith.sitofp %convert_element_type3A : vector<64x64xi32> to vector<64x64xf32>
    %dot_general3A = arith.constant dense<0.000000e+00> : vector<64x4096xf32>
    %dot_general3A_10 = tpu.matmul %convert_element_type3A_9, %slice3A, %dot_general3A {dimension_numbers = #tpu.dot_dimension_numbers<[0], [1], [1], [0], [0, 1, 1, 0], [], []>, transpose_lhs_hint = false} : vector<64x64xf32>, vector<4096x64xf32>, vector<64x4096xf32> -> vector<64x4096xf32>
    %dot_general3A_11 = arith.constant dense<0.000000e+00> : vector<64x4096xf32>
    %dot_general3A_12 = tpu.matmul %convert_element_type3A_9, %slice3A_6, %dot_general3A_11 {dimension_numbers = #tpu.dot_dimension_numbers<[0], [1], [1], [0], [0, 1, 1, 0], [], []>, transpose_lhs_hint = false} : vector<64x64xf32>, vector<4096x64xf32>, vector<64x4096xf32> -> vector<64x4096xf32>
    %get3A_13 = arith.constant 0 : index
    %get3A_14 = arith.constant 0 : index
    %get3A_15 = vector.load %arg3[%get3A_13, %get3A_14] : memref<64x64xf32, #tpu.memory_space<vmem>>, vector<64x64xf32>
    %dot_general3A_16 = arith.constant dense<0.000000e+00> : vector<64x4096xf32>
    %dot_general3A_17 = tpu.matmul %get3A_15, %slice3A, %dot_general3A_16 {dimension_numbers = #tpu.dot_dimension_numbers<[0], [1], [1], [0], [0, 1, 1, 0], [], []>, transpose_lhs_hint = false} : vector<64x64xf32>, vector<4096x64xf32>, vector<64x4096xf32> -> vector<64x4096xf32>
    %get3A_18 = arith.constant 0 : index
    %get3A_19 = arith.constant 0 : index
    %get3A_20 = vector.load %arg4[%get3A_18, %get3A_19] : memref<64x1xf32, #tpu.memory_space<vmem>>, vector<64x1xf32>
    %add3A = vector.broadcast %get3A_20 : vector<64x1xf32> to vector<64x4096xf32>
    %add3A_21 = arith.addf %dot_general3A_17, %add3A : vector<64x4096xf32>
    %max3A = arith.constant 0.000000e+00 : f32
    %max3A_22 = vector.broadcast %max3A : f32 to vector<64x4096xf32>
    %max3A_23 = arith.maximumf %add3A_21, %max3A_22 : vector<64x4096xf32>
    %get3A_24 = arith.constant 0 : index
    %get3A_25 = arith.constant 0 : index
    %get3A_26 = vector.load %arg5[%get3A_24, %get3A_25] : memref<64x64xf32, #tpu.memory_space<vmem>>, vector<64x64xf32>
    %dot_general3A_27 = arith.constant dense<0.000000e+00> : vector<64x4096xf32>
    %dot_general3A_28 = tpu.matmul %get3A_26, %max3A_23, %dot_general3A_27 {dimension_numbers = #tpu.dot_dimension_numbers<[0], [0], [1], [1], [0, 1, 1, 1], [], []>, transpose_lhs_hint = false} : vector<64x64xf32>, vector<64x4096xf32>, vector<64x4096xf32> -> vector<64x4096xf32>
    %get3A_29 = arith.constant 0 : index
    %get3A_30 = arith.constant 0 : index
    %get3A_31 = vector.load %arg6[%get3A_29, %get3A_30] : memref<64x1xf32, #tpu.memory_space<vmem>>, vector<64x1xf32>
    %add3A_32 = vector.broadcast %get3A_31 : vector<64x1xf32> to vector<64x4096xf32>
    %add3A_33 = arith.addf %dot_general3A_28, %add3A_32 : vector<64x4096xf32>
    %get3A_34 = arith.constant 0 : index
    %get3A_35 = arith.constant 0 : index
    %get3A_36 = vector.load %arg7[%get3A_34, %get3A_35] : memref<64x64xf32, #tpu.memory_space<vmem>>, vector<64x64xf32>
    %dot_general3A_37 = arith.constant dense<0.000000e+00> : vector<64x4096xf32>
    %dot_general3A_38 = tpu.matmul %get3A_36, %slice3A_6, %dot_general3A_37 {dimension_numbers = #tpu.dot_dimension_numbers<[0], [1], [1], [0], [0, 1, 1, 0], [], []>, transpose_lhs_hint = false} : vector<64x64xf32>, vector<4096x64xf32>, vector<64x4096xf32> -> vector<64x4096xf32>
    %get3A_39 = arith.constant 0 : index
    %get3A_40 = arith.constant 0 : index
    %get3A_41 = vector.load %arg8[%get3A_39, %get3A_40] : memref<64x1xf32, #tpu.memory_space<vmem>>, vector<64x1xf32>
    %add3A_42 = vector.broadcast %get3A_41 : vector<64x1xf32> to vector<64x4096xf32>
    %add3A_43 = arith.addf %dot_general3A_38, %add3A_42 : vector<64x4096xf32>
    %max3A_44 = arith.constant 0.000000e+00 : f32
    %max3A_45 = vector.broadcast %max3A_44 : f32 to vector<64x4096xf32>
    %max3A_46 = arith.maximumf %add3A_43, %max3A_45 : vector<64x4096xf32>
    %get3A_47 = arith.constant 0 : index
    %get3A_48 = arith.constant 0 : index
    %get3A_49 = vector.load %arg9[%get3A_47, %get3A_48] : memref<64x64xf32, #tpu.memory_space<vmem>>, vector<64x64xf32>
    %dot_general3A_50 = arith.constant dense<0.000000e+00> : vector<64x4096xf32>
    %dot_general3A_51 = tpu.matmul %get3A_49, %max3A_46, %dot_general3A_50 {dimension_numbers = #tpu.dot_dimension_numbers<[0], [0], [1], [1], [0, 1, 1, 1], [], []>, transpose_lhs_hint = false} : vector<64x64xf32>, vector<64x4096xf32>, vector<64x4096xf32> -> vector<64x4096xf32>
    %get3A_52 = arith.constant 0 : index
    %get3A_53 = arith.constant 0 : index
    %get3A_54 = vector.load %arg10[%get3A_52, %get3A_53] : memref<64x1xf32, #tpu.memory_space<vmem>>, vector<64x1xf32>
    %add3A_55 = vector.broadcast %get3A_54 : vector<64x1xf32> to vector<64x4096xf32>
    %add3A_56 = arith.addf %dot_general3A_51, %add3A_55 : vector<64x4096xf32>
    %broadcast_in_dim3A_57 = vector.shape_cast %broadcast_in_dim3A : vector<1x4096xi1> to vector<1x4096xi1>
    %broadcast_in_dim3A_58 = vector.broadcast %broadcast_in_dim3A_57 : vector<1x4096xi1> to vector<64x4096xi1>
    %select_n3A = arith.select %broadcast_in_dim3A_58, %add3A_33, %dot_general3A_10 : vector<64x4096xi1>, vector<64x4096xf32>
    %swap3A = arith.constant 0 : index
    %swap3A_59 = arith.constant 0 : index
    %swap3A_60 = vector.load %arg11[%swap3A, %swap3A_59] : memref<64x4096xf32, #tpu.memory_space<vmem>>, vector<64x4096xf32>
    tpu.vector_store %arg11[%swap3A, %swap3A_59], %select_n3A {strides = array<i32>} : memref<64x4096xf32, #tpu.memory_space<vmem>>, vector<64x4096xf32>,
    %broadcast_in_dim3A_61 = vector.shape_cast %broadcast_in_dim3A : vector<1x4096xi1> to vector<1x4096xi1>
    %broadcast_in_dim3A_62 = vector.broadcast %broadcast_in_dim3A_61 : vector<1x4096xi1> to vector<64x4096xi1>
    %select_n3A_63 = arith.select %broadcast_in_dim3A_62, %add3A_56, %dot_general3A_12 : vector<64x4096xi1>, vector<64x4096xf32>
    %swap3A_64 = arith.constant 0 : index
    %swap3A_65 = arith.constant 0 : index
    %swap3A_66 = vector.load %arg12[%swap3A_64, %swap3A_65] : memref<64x4096xf32, #tpu.memory_space<vmem>>, vector<64x4096xf32>
    tpu.vector_store %arg12[%swap3A_64, %swap3A_65], %select_n3A_63 {strides = array<i32>} : memref<64x4096xf32, #tpu.memory_space<vmem>>, vector<64x4096xf32>,
    return
  }
  func.func @transform_0(%arg0: i32) -> (i32, i32) {
    %c0_i32 = arith.constant 0 : i32
    %c0_i32_0 = arith.constant 0 : i32
    return %arg0, %c0_i32 : i32, i32
  }
  func.func @transform_1(%arg0: i32) -> i32 {
    %c0_i32 = arith.constant 0 : i32
    return %arg0 : i32
  }
  func.func @transform_2(%arg0: i32) -> (i32, i32) {
    %c0_i32 = arith.constant 0 : i32
    %c0_i32_0 = arith.constant 0 : i32
    %c0_i32_1 = arith.constant 0 : i32
    return %c0_i32, %c0_i32_0 : i32, i32
  }
  func.func @transform_3(%arg0: i32) -> (i32, i32) {
    %c0_i32 = arith.constant 0 : i32
    %c0_i32_0 = arith.constant 0 : i32
    %c0_i32_1 = arith.constant 0 : i32
    return %c0_i32, %c0_i32_0 : i32, i32
  }
  func.func @transform_4(%arg0: i32) -> (i32, i32) {
    %c0_i32 = arith.constant 0 : i32
    %c0_i32_0 = arith.constant 0 : i32
    %c0_i32_1 = arith.constant 0 : i32
    return %c0_i32, %c0_i32_0 : i32, i32
  }
  func.func @transform_5(%arg0: i32) -> (i32, i32) {
    %c0_i32 = arith.constant 0 : i32
    %c0_i32_0 = arith.constant 0 : i32
    %c0_i32_1 = arith.constant 0 : i32
    return %c0_i32, %c0_i32_0 : i32, i32
  }
  func.func @transform_6(%arg0: i32) -> (i32, i32) {
    %c0_i32 = arith.constant 0 : i32
    %c0_i32_0 = arith.constant 0 : i32
    %c0_i32_1 = arith.constant 0 : i32
    return %c0_i32, %c0_i32_0 : i32, i32
  }
  func.func @transform_7(%arg0: i32) -> (i32, i32) {
    %c0_i32 = arith.constant 0 : i32
    %c0_i32_0 = arith.constant 0 : i32
    %c0_i32_1 = arith.constant 0 : i32
    return %c0_i32, %c0_i32_0 : i32, i32
  }
  func.func @transform_8(%arg0: i32) -> (i32, i32) {
    %c0_i32 = arith.constant 0 : i32
    %c0_i32_0 = arith.constant 0 : i32
    %c0_i32_1 = arith.constant 0 : i32
    return %c0_i32, %c0_i32_0 : i32, i32
  }
  func.func @transform_9(%arg0: i32) -> (i32, i32) {
    %c0_i32 = arith.constant 0 : i32
    %c0_i32_0 = arith.constant 0 : i32
    %c0_i32_1 = arith.constant 0 : i32
    return %c0_i32, %c0_i32_0 : i32, i32
  }
  func.func @transform_10(%arg0: i32) -> (i32, i32) {
    %c0_i32 = arith.constant 0 : i32
    %c0_i32_0 = arith.constant 0 : i32
    return %c0_i32, %arg0 : i32, i32
  }
  func.func @transform_11(%arg0: i32) -> (i32, i32) {
    %c0_i32 = arith.constant 0 : i32
    %c0_i32_0 = arith.constant 0 : i32
    return %c0_i32, %arg0 : i32, i32
  }
}

</mosaic_0001>

<sc_bundles>
// kernel: kernel.4.cloned.1.call-start
scs
__scs_entry_jumppad:
0x0: {  	(pc) =	sbr.rel $0x88, $3  }
0x1: {  	(tag) =	ssettag $0x0;
	lr =	simm.s32 $0x1  }
0x2: {  	[smem:$0x3F96] =	sst lr;
	_ =	strace $0xD0000000  }
0x3: {  	_ = 	snop  }
0x4: {  	_ = 	snop  }
0x5: {  	_ = 	snop  }
0x6: {  	_ = 	snop  }
0x7: {  	_ = 	snop  }
__scs_overlays_trampoline_lowered:
0x8: {  	[smem:$0x3FA5] =	sst s0  }
0x9: {  	[smem:$0x3FA6] =	sst s1  }
0xa: {  	[smem:$0x3FA7] =	sst s2  }
0xb: {  	[smem:$0x3FA8] =	sst s3  }
0xc: {  	[smem:$0x3FA9] =	sst s4  }
0xd: {  	[smem:$0x3FAA] =	sst s5  }
0xe: {  	[smem:$0x3FAB] =	sst s6  }
0xf: {  	[smem:$0x3FAC] =	sst s7  }
0x10: {  	[smem:$0x3FAD] =	sst s8  }
0x11: {  	[smem:$0x3FAE] =	sst s9;
	s0 =	simm.s32 @!p0 $0x0  }
0x12: {  	s1 =	sld [smem:$0x3F94];
	s0 =	simm.s32 @p0 $0x1  }
0x13: {  	[smem:$0x3FAF] =	sst s0;
	s0 =	simm.s32 @!p1 $0x0  }
0x14: {  	s2 =	sld [smem:$0x3F93];
	s0 =	simm.s32 @p1 $0x1  }
0x15: {  	[smem:$0x3FB0] =	sst s0;
	s0 =	simm.s32 @!p2 $0x0  }
0x16: {  	s3 =	sld [smem:$0x3FDB];
	s0 =	simm.s32 @p2 $0x1  }
0x17: {  	s4 =	simm.s32 $0x1BF5;
	[smem:$0x3FB2] =	sst s0  }
0x18: {  	s0 =	sld [smem:$0x3F95];
	_ =	swait.ge [sflag:s4], $0x0  }
0x19: {  	s7 =	sld [smem:$0x3F96]  }
0x1a: {  	s8 =	sadd.s32 $0xFFFFE003, lr  }
0x1b: {  	s9 =	sadd.s32 $0xFFFFFEF7, lr;
	s5 =	simm.s32 $0xFFFFFFFF;
	p2 =	slt.u32 s8, $0xFFFFF086  }
0x1c: {  	p1 =	slt.u32 s9, $0xF7A;
	s5 =	simm.s32 @!p2 $0x0  }
0x1d: {  	s5 =	simm.s32 @p1 $0x1;
	p0 =	seq.s32 s7, s2  }
0x1e: {  	s7 =	smul.u32 @!p0 $0xF7A, s2;
	p2 =	seq.s32 @!p0 s5, $0x0  }
0x1f: {  	s9 =	smul.u32 $0xF7A, s1;
	s8 =	simm.s32 @!p0 $0x1BF5;
	p2 =	por !p2, p0  }
0x20: {  	[sflag:s8] =	ssyncset.s32 @!p0 $0xFFFFF086;
	s6 =	sadd.s32 @!p0 s3, s7;
	s7 =	simm.s32 @!p0 $0x108  }
0x21: {  	s3 =	sadd.s32 s3, s9;
	s6 =	sadd.s32 @!p0 $0x88, s6;
	s7 =	simm.s32 @p2 $0x1082  }
0x22: {  	[simem:s7], [sflag:s8] =	dma.local @!p0 [hbm:s6], $0xF7A  }
0x23: {  	s9 =	sor.u32 $0xD0000000, s2;
	s6 =	simm.s32 $0x108;
	_ =	swait.ge @!p0 [sflag:s8], $0x0  }
0x24: {  	s3 =	sadd.s32 $0x88, s3;
	s6 =	simm.s32 @!p1 $0x1082;
	[sflag:s4] =	ssyncset.s32 $0xFFFFF086  }
0x25: {  	[simem:s6], [sflag:s4] =	dma.local [hbm:s3], $0xF7A  }
0x26: {  	[smem:$0x3F96] =	sst s1;
	(tag) =	ssettag s2;
	_ =	strace s9  }
0x27: {  	s1 =	sld [smem:$0x3FA6]  }
0x28: {  	s2 =	sld [smem:$0x3FA7]  }
0x29: {  	s4 =	sld [smem:$0x3FA9]  }
0x2a: {  	p0 =	seq.s32 s5, $0x0;
	s5 =	sld [smem:$0x3FAA]  }
0x2b: {  	s6 =	sld [smem:$0x3FAB]  }
0x2c: {  	s7 =	sld [smem:$0x3FAC]  }
0x2d: {  	s3 =	simm.s32 $0x108;
	s8 =	sld [smem:$0x3FAD]  }
0x2e: {  	s3 =	simm.s32 @!p0 $0x1082;
	s9 =	sld [smem:$0x3FAE]  }
0x2f: {  	lr =	sadd.s32 s0, s3;
	s0 =	sld [smem:$0x3FA5]  }
0x30: {  	s3 =	sld [smem:$0x3FA8]  }
0x31: {  	[smem:$0x3FB1] =	sst s10  }
0x32: {  	s10 =	sld [smem:$0x3FAF];
	_ =	sdelay $0x3  }
0x33: {  	p0 =	seq.s32 s10, $0x1;
	s10 =	sld [smem:$0x3FB1];
	_ =	sdelay $0x3  }
0x34: {  	[smem:$0x3FB1] =	sst s10  }
0x35: {  	s10 =	sld [smem:$0x3FB0];
	_ =	sdelay $0x3  }
0x36: {  	p1 =	seq.s32 s10, $0x1;
	s10 =	sld [smem:$0x3FB1];
	_ =	sdelay $0x3  }
0x37: {  	[smem:$0x3FB1] =	sst s10  }
0x38: {  	s10 =	sld [smem:$0x3FB2]  }
0x39: {  	_ = 	snop;
	(pc) =	sbr.ind lr, $3  }
0x3a: {  	_ = 	snop  }
0x3b: {  	_ = 	snop  }
0x3c: {  	p2 =	seq.s32 s10, $0x1;
	s10 =	sld [smem:$0x3FB1]  }
0x3d: {  	_ =	shalt  }
0x3e: {  	_ =	shalt  }
0x3f: {  	_ =	shalt  }
0x40: {  	_ =	shalt  }
0x41: {  	_ =	shalt  }
0x42: {  	_ =	shalt  }
0x43: {  	_ =	shalt  }
0x44: {  	_ =	shalt  }
0x45: {  	_ =	shalt  }
0x46: {  	_ =	shalt  }
0x47: {  	_ =	shalt  }
0x48: {  	_ =	shalt  }
0x49: {  	_ =	shalt  }
0x4a: {  	_ =	shalt  }
0x4b: {  	_ =	shalt  }
0x4c: {  	_ =	shalt  }
0x4d: {  	_ =	shalt  }
0x4e: {  	_ =	shalt  }
0x4f: {  	_ =	shalt  }
0x50: {  	_ =	shalt  }
0x51: {  	_ =	shalt  }
0x52: {  	_ =	shalt  }
0x53: {  	_ =	shalt  }
0x54: {  	_ =	shalt  }
0x55: {  	_ =	shalt  }
0x56: {  	_ =	shalt  }
0x57: {  	_ =	shalt  }
0x58: {  	_ =	shalt  }
0x59: {  	_ =	shalt  }
0x5a: {  	_ =	shalt  }
0x5b: {  	_ =	shalt  }
0x5c: {  	_ =	shalt  }
0x5d: {  	_ =	shalt  }
0x5e: {  	_ =	shalt  }
0x5f: {  	_ =	shalt  }
0x60: {  	_ =	shalt  }
0x61: {  	_ =	shalt  }
0x62: {  	_ =	shalt  }
0x63: {  	_ =	shalt  }
0x64: {  	_ =	shalt  }
0x65: {  	_ =	shalt  }
0x66: {  	_ =	shalt  }
0x67: {  	_ =	shalt  }
0x68: {  	_ =	shalt  }
0x69: {  	_ =	shalt  }
0x6a: {  	_ =	shalt  }
0x6b: {  	_ =	shalt  }
0x6c: {  	_ =	shalt  }
0x6d: {  	_ =	shalt  }
0x6e: {  	_ =	shalt  }
0x6f: {  	_ =	shalt  }
0x70: {  	_ =	shalt  }
0x71: {  	_ =	shalt  }
0x72: {  	_ =	shalt  }
0x73: {  	_ =	shalt  }
0x74: {  	_ =	shalt  }
0x75: {  	_ =	shalt  }
0x76: {  	_ =	shalt  }
0x77: {  	_ =	shalt  }
0x78: {  	_ =	shalt  }
0x79: {  	_ =	shalt  }
0x7a: {  	_ =	shalt  }
0x7b: {  	_ =	shalt  }
0x7c: {  	_ =	shalt  }
0x7d: {  	_ =	shalt  }
0x7e: {  	_ =	shalt  }
0x7f: {  	_ =	shalt  }
0x80: {  	_ =	shalt  }
0x81: {  	_ =	shalt  }
0x82: {  	_ =	shalt  }
0x83: {  	_ =	shalt  }
0x84: {  	_ =	shalt  }
0x85: {  	_ =	shalt  }
0x86: {  	_ =	shalt  }
0x87: {  	_ =	shalt  }
.Lfunc_end0:
.L_simem_size_0:
called_computation_lowered:
.L_overlay_start_0:
0x88: {  	s2 =	sld [smem:$0x3FD9]  }
0x89: {  	s3 =	sld [smem:$0x3FFE];
	_ =	sdelay $0x1  }
0x8a: {  	s1 =	srdreg.scid  }
0x8b: {  	s0 =	sand.u32 $0x1, s1  }
0x8c: {  	s14 =	sshll.u32 s0, $0xA;
	s2 =	sadd.s32 s3, s2  }
0x8d: {  	s2 =	sadd.s32 s2, s14  }
0x8e: {  	[smem:$0x3FBD] =	sst s2  }
0x8f: {  	_ = 	snop  }
0x90: {  	s2 =	sld [smem:$0x3FD0]  }
0x91: {  	s15 =	sld [smem:$0x3FC9]  }
0x92: {  	s4 =	sld [smem:$0x3FC8]  }
0x93: {  	s6 =	simm.s32 $0xA;
	s7 =	simm.s32 $0x10;
	s5 =	sld [smem:$0x3FC7]  }
0x94: {  	[smem:s7], [sflag:s6] =	dma.local [hbm:s2], $0x1  }
0x95: {  	_ =	swait.eq [sflag:s6], $0x1  }
0x96: {  	[sflag:s6] =	ssyncset.done $0x0  }
0x97: {  	[sflag:s6] =	ssyncadd.s32 $0xFFFFFFFF  }
0x98: {  	s16 =	sld [smem:$0x11];
	(tm) =	ssettm $0x1  }
0x99: {  	s17 =	sld [smem:$0x3FFB];
	_ =	sdelay $0x3  }
0x9a: {  	_ =	strace s17  }
0x9b: {  	s6 =	sld [smem:$0x3FFC];
	_ =	sdelay $0x3  }
0x9c: {  	_ =	strace s6  }
0x9d: {  	s6 =	sld [smem:$0x3FFD];
	_ =	sdelay $0x3  }
0x9e: {  	_ =	strace s6  }
0x9f: {  	_ =	strace $0x8FFFFFFF  }
0xa0: {  	s18 =	sld [smem:$0x3FDB];
	_ =	sdelay $0x1  }
0xa1: {  	s19 =	simm.s32 $_scs_section_size  }
0xa2: {  	s8 =	simm.s32 $_size__tile_overlayer_lowered;
	s9 =	simm.s32 $_tile_overlayer_lowered  }
0xa3: {  	s22 =	simm.s32 $0x1BFF;
	s21 =	sshll.u32 s9, $0x1;
	s6 =	sadd.s32 s19, s18  }
0xa4: {  	s10 =	simm.s32 $0x0;
	s20 =	sshll.u32 s8, $0x1;
	s8 =	sadd.s32 s21, s6  }
0xa5: {  	[timem:s10], [sflag:s22] =	dma.local [hbm:s8], s20  }
0xa6: {  	_ =	swait.ge [sflag:s22], s20  }
0xa7: {  	s7 =	ssub.s32 $0x0, s20;
	[sflag:s22] =	ssyncset.done $0x0  }
0xa8: {  	[sflag:s22] =	ssyncadd.s32 s7;
	_ =	sdelay $0x1  }
0xa9: {  	s23 =	simm.s32 $0x1B8B  }
0xaa: {  	_ =	swait.ge [sflag:s23], $0x1  }
0xab: {  	[sflag:s23] =	ssyncset.done $0x0  }
0xac: {  	s25 =	simm.s32 $0x1B8E;
	s24 =	sld [smem:$0x3FFE];
	[sflag:s23] =	ssyncadd.s32 $0xFFFFFFFF  }
0xad: {  	s26 =	simm.s32 $execute0_lowered;
	[smem:$0x3FD2] =	sst s25  }
0xae: {  	s8 =	sshll.u32 s26, $0x1;
	_ =	strace $0x80000046;
	[dreg:$0x1] =	wrdreg $0xFFFFFFFF  }
0xaf: {  	s28 =	simm.s32 $_size_execute0_lowered;
	s6 =	sadd.s32 s6, s8;
	[dreg:$0x0] =	wrdreg $0x0  }
0xb0: {  	s8 =	sshll.u32 s28, $0x1;
	[dreg:$0x2] =	wrdreg s6  }
0xb1: {  	[dreg:$0x3] =	wrdreg s8  }
0xb2: {  	[dreg:$0x4] =	wrdreg $0xC0  }
0xb3: {  	_ =	task [dreg:s10], $0x5FFFF  }
0xb4: {  	[dreg:$0x1] =	wrdreg $0xFFFFFFFF  }
0xb5: {  	[dreg:$0x0] =	wrdreg $0x60  }
0xb6: {  	[dreg:$0x2] =	wrdreg s15  }
0xb7: {  	[dreg:$0x3] =	wrdreg s5  }
0xb8: {  	[dreg:$0x4] =	wrdreg s4  }
0xb9: {  	[dreg:$0x5] =	wrdreg s24  }
0xba: {  	[dreg:$0x6] =	wrdreg s16  }
0xbb: {  	[dreg:$0x7] =	wrdreg $0x9  }
0xbc: {  	_ =	task.clear_ibuf [dreg:s10], $0x8FFFF;
	_ =	strace $0x90000046  }
0xbd: {  	s29 =	simm.s32 $0x9;
	_ =	strace $0x80000048  }
0xbe: {  	_ =	swait.ge [sflag:s29], $0x1  }
0xbf: {  	[sflag:s29] =	ssyncadd.s32 $0xFFFFFFFF  }
0xc0: {  	_ =	strace $0x90000048  }
0xc1: {  	_ =	sfence  }
0xc2: {  	s30 =	sld [smem:$0x0];
	_ =	sdelay $0x2  }
0xc3: {  	s31 =	sshll.u32 s1, $0xD;
	s1 =	sshrl.u32 s1, $0x2  }
0xc4: {  	s3 =	sand.u32 $0x4000, s31;
	s1 =	sadd.s32 s1, s30  }
0xc5: {  	s0 =	sor.u32 s3, s0;
	s1 =	sshll.u32 s1, $0x11  }
0xc6: {  	s0 =	sor.u32 s1, s0  }
0xc7: {  	s0 =	sadd.s32 $0x8F2B, s0  }
0xc8: {  	[sflag:s0] =	ssyncadd.remote.s32 $0x1  }
0xc9: {  	_ =	sfence.sel $0xFFFF  }
0xca: {  	[dreg:$0x0] =	wrdreg $0xFFFFFFFF;
	(pc) =	sbr.abs _section_cstart, $3  }
0xcb: {  	[dreg:$0x1] =	wrdreg $0xFFFFFFFF  }
0xcc: {  	_ =	task.clear_ibuf [dreg:s10], $0x2FFFF;
	_ =	strace $0x9FFFFFFF  }
0xcd: {  	(tm) =	ssettm $0x7FFFFFFF  }
tec
execute0_lowered:
.L_overlay_start_1:
0x0: {  	(tag) =	ssettag $0x1  }
0x1: {  	s0 =	rddreg [dreg:$0x0]  }
0x2: {  	s4 =	rddreg [dreg:$0x1]  }
0x3: {  	s3 =	rddreg [dreg:$0x2]  }
0x4: {  	s5 =	rddreg [dreg:$0x3]  }
0x5: {  	s6 =	rddreg [dreg:$0x4]  }
0x6: {  	s2 =	srdreg.scid;
	s1 =	stileid.u32;
	s15 =	simm.s32 $0x3  }
0x7: {  	p0 =	por $0x0, $0x0;
	s28 =	simm.s32 $0x10280;
	s29 =	simm.s32 $0x10300  }
0x8: {  	s30 =	simm.s32 $0x10380;
	s7 =	sand.u32 $0x1, s2;
	s2 =	simm.s32 $0x0  }
0x9: {  	s8 =	sshll.u32 s1, $0xA;
	s5 =	sadd.s32 $0x1E00, s5;
	s9 =	sshll.u32 s7, $0x9  }
0xa: {  	[smem:$0x7FF] =	sst s2;
	s7 =	ssub.s32 $0x2, s7;
	s8 =	sor.u32 s9, s8  }
0xb: {  	_ =	strace $0x80000047;
	s16 =	sshrl.u32 s7, $0x1;
	s12 =	sshrl.u32 s8, $0x3  }
0xc: {  	s13 =	ssub.s32 s7, s16;
	s17 =	sor.u32 $0x80, s8;
	s19 =	sor.u32 $0x100, s8  }
0xd: {  	s14 =	sor.u32 $0x180, s8;
	s21 =	sshll.u32 s8, $0x4;
	s16 =	simm.s32 $0x8200  }
0xe: {  	s10 =	sadd.s32 s0, s12;
	s18 =	sshrl.u32 s17, $0x3;
	s20 =	sshrl.u32 s19, $0x3  }
0xf: {  	s11 =	sshrl.u32 s14, $0x3;
	s22 =	sshll.u32 s17, $0x4;
	s23 =	sshll.u32 s19, $0x4  }
0x10: {  	s8 =	sshll.u32 s14, $0x4;
	[dreg:$0x6] =	wrdreg s10;
	s26 =	sadd.s32 s0, s11  }
0x11: {  	s11 =	sadd.s32 s5, s21;
	s10 =	sadd.s32 s5, s22;
	s9 =	sadd.s32 s5, s23  }
0x12: {  	s7 =	sadd.s32 s5, s8;
	s5 =	sadd.s32 s6, s12;
	s12 =	smax.u32 s13, $0x1  }
0x13: {  	s19 =	simm.s32 $0x80;
	s17 =	simm.s32 $0x2;
	p1 =	sne.s32 s12, $0x1  }
.Ltmp0:
0x14: {  	s14 =	simm.s32 $0xC200;
	s24 =	sadd.s32 s0, s18;
	(pc) =	sbr.rel @!p1 .LBB2_3-.Ltmp0, $4  }
0x15: {  	s25 =	sadd.s32 s0, s20;
	s22 =	simm.s32 $0x100;
	s23 =	simm.s32 $0x180  }
0x16: {  	s20 =	simm.s32 $0x1;
	s21 =	simm.s32 $0x200;
	s18 =	simm.s32 $0x4200  }
0x17: {  	s13 =	simm.s32 $0x4;
	s8 =	simm.s32 $0x10200;
	s6 =	simm.s32 $0x6  }
0x18: {  	s31 =	sadd.s32 $0xFFFFFFFF, s12;
	s12 =	simm.s32 $0x5;
	s0 =	rddreg [dreg:$0x6]  }
0x19: {  	[tilespmem:s2], [sflag:$0x1] =	stream.linear.gather [hbm4b:s0+s2], $0x80, $0x38;
	[tilespmem:$0x10400] =	vst v63  }
0x1a: {  	_ = 	snop  }
0x1b: {  	[tilespmem:s19], [sflag:$0x2] =	stream.linear.gather [hbm4b:s24+s2], $0x80, $0x38;
	[tilespmem:$0x10400] =	vst v63  }
0x1c: {  	_ = 	snop  }
0x1d: {  	[tilespmem:s22], [sflag:$0x3] =	stream.linear.gather [hbm4b:s25+s2], $0x80, $0x38;
	[tilespmem:$0x10400] =	vst v63  }
0x1e: {  	_ = 	snop  }
0x1f: {  	[tilespmem:s23], [sflag:$0x4] =	stream.linear.gather [hbm4b:s26+s2], $0x80, $0x38;
	[tilespmem:$0x10400] =	vst v63  }
0x20: {  	_ =	swait.ge [sflag:s20], $0x80  }
0x21: {  	[sflag:s20] =	ssyncset.done $0x0  }
0x22: {  	[sflag:s20] =	ssyncadd.s32 $0xFFFFFF80  }
0x23: {  	[tilespmem:s21], [sflag:$0x1] =	stream.indirect.gather [hbm4b:s4+s19], $0x80, s2, s19, $0xb8;
	[tilespmem:$0x10400] =	vst v63  }
0x24: {  	_ =	swait.ge [sflag:s17], $0x80  }
0x25: {  	[sflag:s17] =	ssyncset.done $0x0  }
0x26: {  	[sflag:s17] =	ssyncadd.s32 $0xFFFFFF80  }
0x27: {  	[tilespmem:s18], [sflag:$0x2] =	stream.indirect.gather [hbm4b:s4+s19], $0x80, s19, s19, $0xb8;
	[tilespmem:$0x10400] =	vst v63  }
0x28: {  	_ =	swait.ge [sflag:s15], $0x80  }
0x29: {  	[sflag:s15] =	ssyncset.done $0x0  }
0x2a: {  	[sflag:s15] =	ssyncadd.s32 $0xFFFFFF80  }
0x2b: {  	[tilespmem:s16], [sflag:$0x3] =	stream.indirect.gather [hbm4b:s4+s19], $0x80, s22, s19, $0xb8;
	[tilespmem:$0x10400] =	vst v63  }
0x2c: {  	_ =	swait.ge [sflag:s13], $0x80  }
0x2d: {  	[sflag:s13] =	ssyncset.done $0x0  }
0x2e: {  	[sflag:s13] =	ssyncadd.s32 $0xFFFFFF80  }
0x2f: {  	[tilespmem:s14], [sflag:$0x4] =	stream.indirect.gather [hbm4b:s4+s19], $0x80, s23, s19, $0xb8;
	[tilespmem:$0x10400] =	vst v63  }
0x30: {  	_ = 	snop  }
0x31: {  	[tilespmem:s8], [sflag:$0x5] =	stream.indirect.gather [hbm4b:s3+s19], $0x1, s2, s19, $0xb8;
	[tilespmem:$0x10400] =	vst v63  }
0x32: {  	_ = 	snop  }
0x33: {  	[tilespmem:s28], [sflag:$0x5] =	stream.indirect.gather [hbm4b:s3+s19], $0x1, s19, s19, $0xb8;
	[tilespmem:$0x10400] =	vst v63  }
0x34: {  	_ = 	snop  }
0x35: {  	[tilespmem:s29], [sflag:$0x5] =	stream.indirect.gather [hbm4b:s3+s19], $0x1, s22, s19, $0xb8;
	[tilespmem:$0x10400] =	vst v63  }
0x36: {  	_ = 	snop  }
0x37: {  	[tilespmem:s30], [sflag:$0x5] =	stream.indirect.gather [hbm4b:s3+s19], $0x1, s23, s19, $0xb8;
	[tilespmem:$0x10400] =	vst v63  }
0x38: {  	_ =	swait.ge [sflag:s20], $0x4000  }
0x39: {  	[sflag:s20] =	ssyncset.done $0x0  }
0x3a: {  	[sflag:s20] =	ssyncadd.s32 $0xFFFFC000  }
0x3b: {  	[hbm4b:s11+s2] =	stream.linear.scatter [tilespmem:s21], [sflag:$0x6], $0x4000, $0x38;
	[tilespmem:$0x10400] =	vst v63  }
0x3c: {  	_ =	swait.ge [sflag:s17], $0x4000  }
0x3d: {  	[sflag:s17] =	ssyncset.done $0x0  }
0x3e: {  	[sflag:s17] =	ssyncadd.s32 $0xFFFFC000  }
0x3f: {  	[hbm4b:s10+s2] =	stream.linear.scatter [tilespmem:s18], [sflag:$0x6], $0x4000, $0x38;
	[tilespmem:$0x10400] =	vst v63  }
0x40: {  	_ =	swait.ge [sflag:s15], $0x4000  }
0x41: {  	[sflag:s15] =	ssyncset.done $0x0  }
0x42: {  	[sflag:s15] =	ssyncadd.s32 $0xFFFFC000  }
0x43: {  	[hbm4b:s9+s2] =	stream.linear.scatter [tilespmem:s16], [sflag:$0x6], $0x4000, $0x38;
	[tilespmem:$0x10400] =	vst v63  }
0x44: {  	_ =	swait.ge [sflag:s13], $0x4000  }
0x45: {  	[sflag:s13] =	ssyncset.done $0x0  }
0x46: {  	[sflag:s13] =	ssyncadd.s32 $0xFFFFC000  }
0x47: {  	[hbm4b:s7+s2] =	stream.linear.scatter [tilespmem:s14], [sflag:$0x6], $0x4000, $0x38;
	[tilespmem:$0x10400] =	vst v63  }
0x48: {  	_ =	swait.ge [sflag:s12], $0x80  }
0x49: {  	[sflag:s12] =	ssyncset.done $0x0  }
0x4a: {  	[sflag:s12] =	ssyncadd.s32 $0xFFFFFF80  }
0x4b: {  	_ =	swait.ge [sflag:s12], $0x80  }
0x4c: {  	[sflag:s12] =	ssyncset.done $0x0  }
0x4d: {  	[sflag:s12] =	ssyncadd.s32 $0xFFFFFF80  }
0x4e: {  	_ =	swait.ge [sflag:s12], $0x80  }
0x4f: {  	[sflag:s12] =	ssyncset.done $0x0  }
0x50: {  	[sflag:s12] =	ssyncadd.s32 $0xFFFFFF80  }
0x51: {  	_ =	swait.ge [sflag:s12], $0x80  }
0x52: {  	[sflag:s12] =	ssyncset.done $0x0  }
0x53: {  	[sflag:s12] =	ssyncadd.s32 $0xFFFFFF80  }
0x54: {  	[hbm4b:s5+s2] =	stream.linear.scatter [tilespmem:s8], [sflag:$0x6], $0x200, $0x38;
	[tilespmem:$0x10400] =	vst v63  }
0x55: {  	_ =	swait.ge [sflag:s6], $0x4000  }
0x56: {  	[sflag:s6] =	ssyncset.done $0x0  }
0x57: {  	[sflag:s6] =	ssyncadd.s32 $0xFFFFC000  }
0x58: {  	_ =	swait.ge [sflag:s6], $0x4000  }
0x59: {  	[sflag:s6] =	ssyncset.done $0x0  }
0x5a: {  	[sflag:s6] =	ssyncadd.s32 $0xFFFFC000  }
0x5b: {  	_ =	swait.ge [sflag:s6], $0x4000  }
0x5c: {  	[sflag:s6] =	ssyncset.done $0x0  }
0x5d: {  	p1 =	sne.s32 s31, $0x1;
	[sflag:s6] =	ssyncadd.s32 $0xFFFFC000  }
.Ltmp1:
0x5e: {  	_ =	swait.ge [sflag:s6], $0x4000;
	(pc) =	sbr.rel @!p1 .LBB2_3-.Ltmp1, $4  }
0x5f: {  	[sflag:s6] =	ssyncset.done $0x0  }
0x60: {  	[sflag:s6] =	ssyncadd.s32 $0xFFFFC000  }
0x61: {  	s31 =	sadd.s32 $0xFFFFFFFF, s31;
	_ =	swait.ge [sflag:s6], $0x200  }
0x62: {  	p0 =	por $0x1, $0x1;
	s0 =	rddreg [dreg:$0x6];
	[sflag:s6] =	ssyncset.done $0x0  }
.LBB2_2:
0x63: {  	[sflag:s6] =	ssyncadd.s32 $0xFFFFFE00  }
0x64: {  	[tilespmem:s2], [sflag:$0x1] =	stream.linear.gather [hbm4b:s0+s2], $0x80, $0x38;
	[tilespmem:$0x10400] =	vst v63  }
0x65: {  	_ = 	snop  }
0x66: {  	[tilespmem:s19], [sflag:$0x2] =	stream.linear.gather [hbm4b:s24+s2], $0x80, $0x38;
	[tilespmem:$0x10400] =	vst v63  }
0x67: {  	_ = 	snop  }
0x68: {  	[tilespmem:s22], [sflag:$0x3] =	stream.linear.gather [hbm4b:s25+s2], $0x80, $0x38;
	[tilespmem:$0x10400] =	vst v63  }
0x69: {  	_ = 	snop  }
0x6a: {  	[tilespmem:s23], [sflag:$0x4] =	stream.linear.gather [hbm4b:s26+s2], $0x80, $0x38;
	[tilespmem:$0x10400] =	vst v63  }
0x6b: {  	_ =	swait.ge [sflag:s20], $0x80  }
0x6c: {  	[sflag:s20] =	ssyncset.done $0x0  }
0x6d: {  	[sflag:s20] =	ssyncadd.s32 $0xFFFFFF80  }
0x6e: {  	[tilespmem:s21], [sflag:$0x1] =	stream.indirect.gather [hbm4b:s4+s19], $0x80, s2, s19, $0xb8;
	[tilespmem:$0x10400] =	vst v63  }
0x6f: {  	_ =	swait.ge [sflag:s17], $0x80  }
0x70: {  	[sflag:s17] =	ssyncset.done $0x0  }
0x71: {  	[sflag:s17] =	ssyncadd.s32 $0xFFFFFF80  }
0x72: {  	[tilespmem:s18], [sflag:$0x2] =	stream.indirect.gather [hbm4b:s4+s19], $0x80, s19, s19, $0xb8;
	[tilespmem:$0x10400] =	vst v63  }
0x73: {  	_ =	swait.ge [sflag:s15], $0x80  }
0x74: {  	[sflag:s15] =	ssyncset.done $0x0  }
0x75: {  	[sflag:s15] =	ssyncadd.s32 $0xFFFFFF80  }
0x76: {  	[tilespmem:s16], [sflag:$0x3] =	stream.indirect.gather [hbm4b:s4+s19], $0x80, s22, s19, $0xb8;
	[tilespmem:$0x10400] =	vst v63  }
0x77: {  	_ =	swait.ge [sflag:s13], $0x80  }
0x78: {  	[sflag:s13] =	ssyncset.done $0x0  }
0x79: {  	[sflag:s13] =	ssyncadd.s32 $0xFFFFFF80  }
0x7a: {  	[tilespmem:s14], [sflag:$0x4] =	stream.indirect.gather [hbm4b:s4+s19], $0x80, s23, s19, $0xb8;
	[tilespmem:$0x10400] =	vst v63  }
0x7b: {  	_ = 	snop  }
0x7c: {  	[tilespmem:s8], [sflag:$0x5] =	stream.indirect.gather [hbm4b:s3+s19], $0x1, s2, s19, $0xb8;
	[tilespmem:$0x10400] =	vst v63  }
0x7d: {  	_ = 	snop  }
0x7e: {  	[tilespmem:s28], [sflag:$0x5] =	stream.indirect.gather [hbm4b:s3+s19], $0x1, s19, s19, $0xb8;
	[tilespmem:$0x10400] =	vst v63  }
0x7f: {  	_ = 	snop  }
0x80: {  	[tilespmem:s29], [sflag:$0x5] =	stream.indirect.gather [hbm4b:s3+s19], $0x1, s22, s19, $0xb8;
	[tilespmem:$0x10400] =	vst v63  }
0x81: {  	_ = 	snop  }
0x82: {  	[tilespmem:s30], [sflag:$0x5] =	stream.indirect.gather [hbm4b:s3+s19], $0x1, s23, s19, $0xb8;
	[tilespmem:$0x10400] =	vst v63  }
0x83: {  	_ =	swait.ge [sflag:s20], $0x4000  }
0x84: {  	[sflag:s20] =	ssyncset.done $0x0  }
0x85: {  	[sflag:s20] =	ssyncadd.s32 $0xFFFFC000  }
0x86: {  	[hbm4b:s11+s2] =	stream.linear.scatter [tilespmem:s21], [sflag:$0x6], $0x4000, $0x38;
	[tilespmem:$0x10400] =	vst v63  }
0x87: {  	_ =	swait.ge [sflag:s17], $0x4000  }
0x88: {  	[sflag:s17] =	ssyncset.done $0x0  }
0x89: {  	[sflag:s17] =	ssyncadd.s32 $0xFFFFC000  }
0x8a: {  	[hbm4b:s10+s2] =	stream.linear.scatter [tilespmem:s18], [sflag:$0x6], $0x4000, $0x38;
	[tilespmem:$0x10400] =	vst v63  }
0x8b: {  	_ =	swait.ge [sflag:s15], $0x4000  }
0x8c: {  	[sflag:s15] =	ssyncset.done $0x0  }
0x8d: {  	[sflag:s15] =	ssyncadd.s32 $0xFFFFC000  }
0x8e: {  	[hbm4b:s9+s2] =	stream.linear.scatter [tilespmem:s16], [sflag:$0x6], $0x4000, $0x38;
	[tilespmem:$0x10400] =	vst v63  }
0x8f: {  	_ =	swait.ge [sflag:s13], $0x4000  }
0x90: {  	[sflag:s13] =	ssyncset.done $0x0  }
0x91: {  	[sflag:s13] =	ssyncadd.s32 $0xFFFFC000  }
0x92: {  	[hbm4b:s7+s2] =	stream.linear.scatter [tilespmem:s14], [sflag:$0x6], $0x4000, $0x38;
	[tilespmem:$0x10400] =	vst v63  }
0x93: {  	_ =	swait.ge [sflag:s12], $0x80  }
0x94: {  	[sflag:s12] =	ssyncset.done $0x0  }
0x95: {  	[sflag:s12] =	ssyncadd.s32 $0xFFFFFF80  }
0x96: {  	_ =	swait.ge [sflag:s12], $0x80  }
0x97: {  	[sflag:s12] =	ssyncset.done $0x0  }
0x98: {  	[sflag:s12] =	ssyncadd.s32 $0xFFFFFF80  }
0x99: {  	_ =	swait.ge [sflag:s12], $0x80  }
0x9a: {  	[sflag:s12] =	ssyncset.done $0x0  }
0x9b: {  	[sflag:s12] =	ssyncadd.s32 $0xFFFFFF80  }
0x9c: {  	_ =	swait.ge [sflag:s12], $0x80  }
0x9d: {  	[sflag:s12] =	ssyncset.done $0x0  }
0x9e: {  	[sflag:s12] =	ssyncadd.s32 $0xFFFFFF80  }
0x9f: {  	[hbm4b:s5+s2] =	stream.linear.scatter [tilespmem:s8], [sflag:$0x6], $0x200, $0x38;
	[tilespmem:$0x10400] =	vst v63  }
0xa0: {  	_ =	swait.ge [sflag:s6], $0x4000  }
0xa1: {  	[sflag:s6] =	ssyncset.done $0x0  }
0xa2: {  	[sflag:s6] =	ssyncadd.s32 $0xFFFFC000  }
0xa3: {  	_ =	swait.ge [sflag:s6], $0x4000  }
0xa4: {  	[sflag:s6] =	ssyncset.done $0x0  }
0xa5: {  	[sflag:s6] =	ssyncadd.s32 $0xFFFFC000  }
0xa6: {  	_ =	swait.ge [sflag:s6], $0x4000  }
0xa7: {  	[sflag:s6] =	ssyncset.done $0x0  }
0xa8: {  	p1 =	sne.s32 s31, $0x1;
	[sflag:s6] =	ssyncadd.s32 $0xFFFFC000  }
.Ltmp2:
0xa9: {  	_ =	swait.ge [sflag:s6], $0x4000;
	(pc) =	sbr.rel @p1 .LBB2_2-.Ltmp2, $4  }
0xaa: {  	[sflag:s6] =	ssyncset.done $0x0  }
0xab: {  	[sflag:s6] =	ssyncadd.s32 $0xFFFFC000  }
0xac: {  	_ =	swait.ge [sflag:s6], $0x200  }
0xad: {  	s31 =	sadd.s32 $0xFFFFFFFF, s31;
	s0 =	rddreg [dreg:$0x6];
	[sflag:s6] =	ssyncset.done $0x0  }
.LBB2_3:
0xae: {  	[sflag:s6] =	ssyncadd.s32 @p0 $0xFFFFFE00  }
0xaf: {  	[tilespmem:s2], [sflag:$0x1] =	stream.linear.gather [hbm4b:s0+s2], $0x80, $0x38;
	[tilespmem:$0x10400] =	vst v63  }
0xb0: {  	_ = 	snop  }
0xb1: {  	[tilespmem:s19], [sflag:$0x2] =	stream.linear.gather [hbm4b:s24+s2], $0x80, $0x38;
	[tilespmem:$0x10400] =	vst v63  }
0xb2: {  	_ = 	snop  }
0xb3: {  	[tilespmem:s22], [sflag:$0x3] =	stream.linear.gather [hbm4b:s25+s2], $0x80, $0x38;
	[tilespmem:$0x10400] =	vst v63  }
0xb4: {  	_ = 	snop  }
0xb5: {  	[tilespmem:s23], [sflag:$0x4] =	stream.linear.gather [hbm4b:s26+s2], $0x80, $0x38;
	[tilespmem:$0x10400] =	vst v63  }
0xb6: {  	_ =	swait.ge [sflag:s20], $0x80  }
0xb7: {  	[sflag:s20] =	ssyncset.done $0x0  }
0xb8: {  	[sflag:s20] =	ssyncadd.s32 $0xFFFFFF80  }
0xb9: {  	[tilespmem:s21], [sflag:$0x1] =	stream.indirect.gather [hbm4b:s4+s19], $0x80, s2, s19, $0xb8;
	[tilespmem:$0x10400] =	vst v63  }
0xba: {  	_ =	swait.ge [sflag:s17], $0x80  }
0xbb: {  	[sflag:s17] =	ssyncset.done $0x0  }
0xbc: {  	[sflag:s17] =	ssyncadd.s32 $0xFFFFFF80  }
0xbd: {  	[tilespmem:s18], [sflag:$0x2] =	stream.indirect.gather [hbm4b:s4+s19], $0x80, s19, s19, $0xb8;
	[tilespmem:$0x10400] =	vst v63  }
0xbe: {  	_ =	swait.ge [sflag:s15], $0x80  }
0xbf: {  	[sflag:s15] =	ssyncset.done $0x0  }
0xc0: {  	[sflag:s15] =	ssyncadd.s32 $0xFFFFFF80  }
0xc1: {  	[tilespmem:s16], [sflag:$0x3] =	stream.indirect.gather [hbm4b:s4+s19], $0x80, s22, s19, $0xb8;
	[tilespmem:$0x10400] =	vst v63  }
0xc2: {  	_ =	swait.ge [sflag:s13], $0x80  }
0xc3: {  	[sflag:s13] =	ssyncset.done $0x0  }
0xc4: {  	[sflag:s13] =	ssyncadd.s32 $0xFFFFFF80  }
0xc5: {  	[tilespmem:s14], [sflag:$0x4] =	stream.indirect.gather [hbm4b:s4+s19], $0x80, s23, s19, $0xb8;
	[tilespmem:$0x10400] =	vst v63  }
0xc6: {  	_ = 	snop  }
0xc7: {  	[tilespmem:s8], [sflag:$0x5] =	stream.indirect.gather [hbm4b:s3+s19], $0x1, s2, s19, $0xb8;
	[tilespmem:$0x10400] =	vst v63  }
0xc8: {  	_ = 	snop  }
0xc9: {  	[tilespmem:s28], [sflag:$0x5] =	stream.indirect.gather [hbm4b:s3+s19], $0x1, s19, s19, $0xb8;
	[tilespmem:$0x10400] =	vst v63  }
0xca: {  	_ = 	snop  }
0xcb: {  	[tilespmem:s29], [sflag:$0x5] =	stream.indirect.gather [hbm4b:s3+s19], $0x1, s22, s19, $0xb8;
	[tilespmem:$0x10400] =	vst v63  }
0xcc: {  	_ = 	snop  }
0xcd: {  	[tilespmem:s30], [sflag:$0x5] =	stream.indirect.gather [hbm4b:s3+s19], $0x1, s23, s19, $0xb8;
	[tilespmem:$0x10400] =	vst v63  }
0xce: {  	_ =	swait.ge [sflag:s20], $0x4000  }
0xcf: {  	[sflag:s20] =	ssyncset.done $0x0  }
0xd0: {  	[sflag:s20] =	ssyncadd.s32 $0xFFFFC000  }
0xd1: {  	[hbm4b:s11+s2] =	stream.linear.scatter [tilespmem:s21], [sflag:$0x6], $0x4000, $0x38;
	[tilespmem:$0x10400] =	vst v63  }
0xd2: {  	_ =	swait.ge [sflag:s17], $0x4000  }
0xd3: {  	[sflag:s17] =	ssyncset.done $0x0  }
0xd4: {  	[sflag:s17] =	ssyncadd.s32 $0xFFFFC000  }
0xd5: {  	[hbm4b:s10+s2] =	stream.linear.scatter [tilespmem:s18], [sflag:$0x6], $0x4000, $0x38;
	[tilespmem:$0x10400] =	vst v63  }
0xd6: {  	_ =	swait.ge [sflag:s15], $0x4000  }
0xd7: {  	[sflag:s15] =	ssyncset.done $0x0  }
0xd8: {  	[sflag:s15] =	ssyncadd.s32 $0xFFFFC000  }
0xd9: {  	[hbm4b:s9+s2] =	stream.linear.scatter [tilespmem:s16], [sflag:$0x6], $0x4000, $0x38;
	[tilespmem:$0x10400] =	vst v63  }
0xda: {  	_ =	swait.ge [sflag:s13], $0x4000  }
0xdb: {  	[sflag:s13] =	ssyncset.done $0x0  }
0xdc: {  	[sflag:s13] =	ssyncadd.s32 $0xFFFFC000  }
0xdd: {  	[hbm4b:s7+s2] =	stream.linear.scatter [tilespmem:s14], [sflag:$0x6], $0x4000, $0x38;
	[tilespmem:$0x10400] =	vst v63  }
0xde: {  	_ =	swait.ge [sflag:s12], $0x80  }
0xdf: {  	[sflag:s12] =	ssyncset.done $0x0  }
0xe0: {  	[sflag:s12] =	ssyncadd.s32 $0xFFFFFF80  }
0xe1: {  	_ =	swait.ge [sflag:s12], $0x80  }
0xe2: {  	[sflag:s12] =	ssyncset.done $0x0  }
0xe3: {  	[sflag:s12] =	ssyncadd.s32 $0xFFFFFF80  }
0xe4: {  	_ =	swait.ge [sflag:s12], $0x80  }
0xe5: {  	[sflag:s12] =	ssyncset.done $0x0  }
0xe6: {  	[sflag:s12] =	ssyncadd.s32 $0xFFFFFF80  }
0xe7: {  	_ =	swait.ge [sflag:s12], $0x80  }
0xe8: {  	[sflag:s12] =	ssyncset.done $0x0  }
0xe9: {  	[sflag:s12] =	ssyncadd.s32 $0xFFFFFF80  }
0xea: {  	[hbm4b:s5+s2] =	stream.linear.scatter [tilespmem:s8], [sflag:$0x6], $0x200, $0x38;
	[tilespmem:$0x10400] =	vst v63  }
0xeb: {  	_ =	swait.ge [sflag:s6], $0x4000  }
0xec: {  	[sflag:s6] =	ssyncset.done $0x0  }
0xed: {  	[sflag:s6] =	ssyncadd.s32 $0xFFFFC000  }
0xee: {  	_ =	swait.ge [sflag:s6], $0x4000  }
0xef: {  	[sflag:s6] =	ssyncset.done $0x0  }
0xf0: {  	[sflag:s6] =	ssyncadd.s32 $0xFFFFC000  }
0xf1: {  	_ =	swait.ge [sflag:s6], $0x4000  }
0xf2: {  	[sflag:s6] =	ssyncset.done $0x0  }
0xf3: {  	[sflag:s6] =	ssyncadd.s32 $0xFFFFC000  }
0xf4: {  	_ =	swait.ge [sflag:s6], $0x4000  }
0xf5: {  	[sflag:s6] =	ssyncset.done $0x0  }
0xf6: {  	[sflag:s6] =	ssyncadd.s32 $0xFFFFC000  }
0xf7: {  	_ =	swait.ge [sflag:s6], $0x200  }
0xf8: {  	[sflag:s6] =	ssyncset.done $0x0  }
0xf9: {  	[sflag:s6] =	ssyncadd.s32 $0xFFFFFE00  }
0xfa: {  	_ =	sfence.sel $0x180000  }
0xfb: {  	[bflag:$0x0] =	sbarrier.arrive $0xFFFF  }
0xfc: {  	_ =	strace $0x90000047  }
0xfd: {  	[bflag:$0x2] =	sbarrier.arrive $0xFFFF  }
0xfe: {  	p0 =	sne.s32 s1, $0x0;
	s0 =	rddreg [dreg:$0x5]  }
0xff: {  	s0 =	sadd.s32 @!p0 $0x100000, s0  }
0x100: {  	[sflag:s0] =	ssyncadd.tile.s32 @!p0 $0x1;
	_ =	shalt  }
.Lfunc_end2:
_tile_overlayer_lowered:
.L_overlay_start_2:
0x101: {  	(tag) =	ssettag $0x2  }
0x102: {  	s0 =	rddreg [dreg:$0x0];
	s2 =	stileid.u32  }
0x103: {  	s1 =	rddreg [dreg:$0x1];
	p0 =	sne.s32 s2, $0x0  }
0x104: {  	s3 =	rddreg [dreg:$0x2];
	[bflag:$0x3] =	sbarrier.arrive $0xFFFF;
	s2 =	simm.s32 @!p0 $0x1C07  }
0x105: {  	[timem:s3], [sflag:s2] =	dma.local @!p0 [hbm:s0], s1  }
0x106: {  	s0 =	simm.s32 @!p0 $0x7  }
0x107: {  	_ =	swait.ge @!p0 [sflag:s0], s1  }
0x108: {  	s1 =	ssub.s32 @!p0 $0x0, s1;
	[sflag:s0] =	ssyncset.done @!p0 $0x0  }
0x109: {  	[sflag:s0] =	ssyncadd.s32 @!p0 s1  }
0x10a: {  	[bflag:$0x3] =	sbarrier.arrive $0xFFFF  }
0x10b: {  	_ =	shalt  }

</sc_bundles>
